<compile_context>
chip_gen: v7x
topology: tpu7x:2x2x1
jax: 0.10.2.dev20260603
libtpu: 0.0.44.dev20260713+nightly
codegen_flags: <defaults>
</compile_context>

<pallas_src>
import functools

import jax
import jax.numpy as jnp
from jax import lax
from jax.experimental import pallas as pl
from jax.experimental.pallas import tpu as pltpu
from jax.experimental.pallas import tpu_sc as plsc

_B, _N, _CIN = 4, 4096, 67
_S, _K, _F = 16, 15, 64
_KP_EXTEND = 0.1
_ALPHA = 0.3
_R2MAX = (2.0 * _KP_EXTEND) ** 2
_BIG = 1e30
_CP = 128
_NW = 32
_RPW = (_B * _N) // _NW
_WPB = _N // _RPW
_GQ = 8
_NG = _RPW // _GQ
_NCHUNK = _N // 16


def _sc_select_gather(x_hbm, y_hbm, z_hbm, tbl_hbm,
                      grouped_hbm, relx_hbm, rely_hbm, relz_hbm, seld2_hbm,
                      xv, yv, zv, sd2, sidx, idxsel, selk,
                      rxb, ryb, rzb, rows, sem):
    wid = lax.axis_index("s") * 2 + lax.axis_index("c")
    b = wid >> 3
    nbase = (wid & (_WPB - 1)) * _RPW
    gbase = b * _N + nbase

    pltpu.sync_copy(x_hbm.at[pl.ds(b * _N, _N)], xv)
    pltpu.sync_copy(y_hbm.at[pl.ds(b * _N, _N)], yv)
    pltpu.sync_copy(z_hbm.at[pl.ds(b * _N, _N)], zv)

    iota = lax.iota(jnp.int32, 16)

    def row_body(i, carry):
        n = nbase + i
        nsplat = jnp.full((16,), n, jnp.int32)
        qx = plsc.load_gather(xv, [nsplat])
        qy = plsc.load_gather(yv, [nsplat])
        qz = plsc.load_gather(zv, [nsplat])

        def scan_body(c16, cnt):
            xc = xv[pl.ds(c16, 16)]
            yc = yv[pl.ds(c16, 16)]
            zc = zv[pl.ds(c16, 16)]
            dx = xc - qx
            dy = yc - qy
            dz = zc - qz
            d2 = (dx * dx + dy * dy) + dz * dz
            m = d2 < _R2MAX
            pos = plsc.cumsum(m.astype(jnp.int32)) - 1 + cnt
            plsc.store_scatter(sd2, [pos], d2, mask=m)
            plsc.store_scatter(sidx, [pos], iota + c16, mask=m)
            pc = plsc.all_reduce_population_count(m)
            if pc.ndim == 0:
                pc = jnp.full((16,), pc, jnp.int32)
            return cnt + pc

        cnt = plsc.parallel_loop(0, _N, step=16,
                                 carry=jnp.zeros((16,), jnp.int32))(scan_body)
        cnt_s = jnp.max(cnt)

        padpos = cnt + iota
        plsc.store_scatter(sd2, [padpos], jnp.full((16,), _BIG, jnp.float32))
        plsc.store_scatter(sidx, [padpos], nsplat)

        runk, runv = plsc.sort_key_val(sd2[pl.ds(0, 16)], sidx[pl.ds(0, 16)])

        def merge_body(j, kv):
            rk, rv = kv
            bs = plsc.sort_key_val(sd2[pl.ds(j * 16, 16)], sidx[pl.ds(j * 16, 16)])
            rbk = lax.rev(bs[0], (0,))
            rbv = lax.rev(bs[1], (0,))
            keep = rk <= rbk
            mk = jnp.where(keep, rk, rbk)
            mv = jnp.where(keep, rv, rbv)
            sk = plsc.sort_key_val(mk, mv)
            return (sk[0], sk[1])

        nch = (cnt_s + 15) >> 4
        runk, runv = lax.fori_loop(1, nch, merge_body, (runk, runv))

        relx = plsc.load_gather(xv, [runv]) - qx
        rely = plsc.load_gather(yv, [runv]) - qy
        relz = plsc.load_gather(zv, [runv]) - qz

        o = i * 16
        rxb[pl.ds(o, 16)] = relx
        ryb[pl.ds(o, 16)] = rely
        rzb[pl.ds(o, 16)] = relz
        selk[pl.ds(o, 16)] = runk
        idxsel[pl.ds(o, 16)] = runv + b * _N
        return carry

    lax.fori_loop(0, _RPW, row_body, 0)

    ob = gbase * 16
    pltpu.sync_copy(rxb, relx_hbm.at[pl.ds(ob, _RPW * 16)])
    pltpu.sync_copy(ryb, rely_hbm.at[pl.ds(ob, _RPW * 16)])
    pltpu.sync_copy(rzb, relz_hbm.at[pl.ds(ob, _RPW * 16)])
    pltpu.sync_copy(selk, seld2_hbm.at[pl.ds(ob, _RPW * 16)])

    def gather_body(g, carry):
        gi = g * _GQ * 16
        pltpu.async_copy(tbl_hbm.at[idxsel.at[pl.ds(gi, _GQ * 16)]], rows, sem).wait()
        pltpu.sync_copy(rows, grouped_hbm.at[pl.ds(gbase * 16 + gi, _GQ * 16)])
        return carry

    lax.fori_loop(0, _NG, gather_body, 0)


def _tc_weight_reduce(grouped_ref, relx_ref, rely_ref, relz_ref, seld2_ref,
                      kp_ref, w_ref, out_ref):
    g2 = grouped_ref[...]
    relx = relx_ref[...]
    rely = rely_ref[...]
    relz = relz_ref[...]
    validf = jnp.where(seld2_ref[...] < _R2MAX, 1.0, 0.0)

    nq = relx.shape[0]
    out = jnp.zeros((nq, _F), jnp.float32)
    for k in range(_K):
        ax, ay, az = kp_ref[k, 0], kp_ref[k, 1], kp_ref[k, 2]
        dxk = relx - ax
        dyk = rely - ay
        dzk = relz - az
        dk2 = (dxk * dxk + dyk * dyk) + dzk * dzk
        dist = jnp.sqrt(dk2 + 1e-12)
        infl = jnp.maximum(0.0, 1.0 - dist * (1.0 / _KP_EXTEND)) * validf
        w3 = g2.reshape(nq, _S, _CP) * infl[:, :, None]
        r8 = w3[:, 0:8, :] + w3[:, 8:16, :]
        r4 = r8[:, 0:4, :] + r8[:, 4:8, :]
        r2 = r4[:, 0:2, :] + r4[:, 2:4, :]
        hk = r2[:, 0, :] + r2[:, 1, :]
        out = out + jax.lax.dot_general(hk[:, :_CIN], w_ref[k], (((1,), (0,)), ((), ())),
                                        preferred_element_type=jnp.float32)
    out_ref[...] = jnp.where(out > 0, out, _ALPHA * out)


_NQT = 128


def kernel(inputs, kernel_points, W):
    xyz = inputs[..., :3]
    xf = xyz[..., 0].reshape(-1)
    yf = xyz[..., 1].reshape(-1)
    zf = xyz[..., 2].reshape(-1)
    tbl = jnp.pad(inputs.reshape(_B * _N, _CIN), ((0, 0), (0, _CP - _CIN)))

    mesh = plsc.VectorSubcoreMesh(core_axis_name="c", subcore_axis_name="s",
                                  num_cores=2, num_subcores=16)
    BN = _B * _N
    sc = functools.partial(
        pl.kernel,
        out_type=[
            jax.ShapeDtypeStruct((BN * _S, _CP), jnp.float32),
            jax.ShapeDtypeStruct((BN * _S,), jnp.float32),
            jax.ShapeDtypeStruct((BN * _S,), jnp.float32),
            jax.ShapeDtypeStruct((BN * _S,), jnp.float32),
            jax.ShapeDtypeStruct((BN * _S,), jnp.float32),
        ],
        mesh=mesh,
        compiler_params=pltpu.CompilerParams(needs_layout_passes=False),
        scratch_types=[
            pltpu.VMEM((_N,), jnp.float32),
            pltpu.VMEM((_N,), jnp.float32),
            pltpu.VMEM((_N,), jnp.float32),
            pltpu.VMEM((_N + 16,), jnp.float32),
            pltpu.VMEM((_N + 16,), jnp.int32),
            pltpu.VMEM((_RPW * 16,), jnp.int32),
            pltpu.VMEM((_RPW * 16,), jnp.float32),
            pltpu.VMEM((_RPW * 16,), jnp.float32),
            pltpu.VMEM((_RPW * 16,), jnp.float32),
            pltpu.VMEM((_RPW * 16,), jnp.float32),
            pltpu.VMEM((_GQ * 16, _CP), jnp.float32),
            pltpu.SemaphoreType.DMA,
        ],
    )(_sc_select_gather)
    grouped, relx, rely, relz, seld2 = sc(xf, yf, zf, tbl)

    relx = relx.reshape(BN, _S)
    rely = rely.reshape(BN, _S)
    relz = relz.reshape(BN, _S)
    seld2 = seld2.reshape(BN, _S)

    out = pl.pallas_call(
        _tc_weight_reduce,
        grid=(BN // _NQT,),
        in_specs=[
            pl.BlockSpec((_NQT * _S, _CP), lambda q: (q, 0)),
            pl.BlockSpec((_NQT, _S), lambda q: (q, 0)),
            pl.BlockSpec((_NQT, _S), lambda q: (q, 0)),
            pl.BlockSpec((_NQT, _S), lambda q: (q, 0)),
            pl.BlockSpec((_NQT, _S), lambda q: (q, 0)),
            pl.BlockSpec(memory_space=pltpu.SMEM),
            pl.BlockSpec((_K, _CIN, _F), lambda q: (0, 0, 0)),
        ],
        out_specs=pl.BlockSpec((_NQT, _F), lambda q: (q, 0)),
        out_shape=jax.ShapeDtypeStruct((BN, _F), jnp.float32),
    )(grouped, relx, rely, relz, seld2, kernel_points, W)
    return out.reshape(_B, _N, _F)

# --- scband reference (transcript-rebuilt; emitter-appended) ---
"""Pipeline reference for scband-kpconv-block-7842610283216 (READ-ONLY COPY).

The authoritative reference and input builder live on the scoring server;
editing this copy changes nothing except your own understanding.
"""

import jax, jax.numpy as jnp
import numpy as np

B, N, CIN = 4, 4096, 67
NSAMPLE = 16
KPTS = 15
FILTERS = 64
KP_EXTEND = 0.1
ALPHA = 0.3


def setup_inputs(seed: int = 0) -> dict:
    key = jax.random.key(seed)
    k1, k2, k3, k4 = jax.random.split(key, 4)
    # inputs: first 3 channels are xyz coordinates in [0,1)^3, rest are point features
    inputs = jax.random.uniform(k1, (B, N, CIN), dtype=jnp.float32)
    # kernel points: fixed='center' -> first kernel point at origin; remaining
    # points distributed uniformly inside a ball of radius kp_extend
    dirs = jax.random.normal(k2, (KPTS - 1, 3), dtype=jnp.float32)
    dirs = dirs / (jnp.linalg.norm(dirs, axis=-1, keepdims=True) + 1e-9)
    radii = jax.random.uniform(k4, (KPTS - 1, 1), dtype=jnp.float32) ** (1.0 / 3.0) * KP_EXTEND
    kernel_points = jnp.concatenate([jnp.zeros((1, 3), jnp.float32), dirs * radii], axis=0)
    # convolution kernel weights: one [in_dim, filters] matrix per kernel point
    W = jax.random.normal(k3, (KPTS, CIN, FILTERS), dtype=jnp.float32) * jnp.sqrt(2.0 / (CIN + FILTERS))
    return {"inputs": inputs, "kernel_points": kernel_points, "W": W}


def reference(inputs, kernel_points, W):
    # KPConvBlock with bn=False, dropout_rate=0 -> just the KPConv layer.
    xyz = inputs[..., :3]                      # (B, N, 3)
    feats = inputs                             # use_xyz=True: xyz concatenated with features -> in_dim = CIN
    # knn=True: find NSAMPLE nearest neighbors for every point (npoint=None -> queries = all points)
    d2 = jnp.sum((xyz[:, :, None, :] - xyz[:, None, :, :]) ** 2, axis=-1)  # (B, N, N)
    _, idx = jax.lax.top_k(-d2, NSAMPLE)       # (B, N, NSAMPLE) neighbor indices

    def gather(pts, ix):
        return pts[ix]

    grouped_xyz = jax.vmap(gather)(xyz, idx)       # (B, N, S, 3)
    grouped_feats = jax.vmap(gather)(feats, idx)   # (B, N, S, CIN)
    # relative neighbor coordinates w.r.t. the query point
    rel = grouped_xyz - xyz[:, :, None, :]          # (B, N, S, 3)
    # distance from each relative neighbor to each kernel point
    diff = rel[:, :, :, None, :] - kernel_points[None, None, None, :, :]  # (B, N, S, K, 3)
    dist = jnp.sqrt(jnp.sum(diff * diff, axis=-1) + 1e-12)                # (B, N, S, K)
    # kp_influence='linear': influence decays linearly within kp_extend
    infl = jnp.maximum(0.0, 1.0 - dist / KP_EXTEND)                       # (B, N, S, K)
    # aggregation_mode='sum': sum influences over neighbors per kernel point
    weighted = jnp.einsum('bnsk,bnsc->bnkc', infl, grouped_feats)         # (B, N, K, CIN)
    out = jnp.einsum('bnkc,kcf->bnf', weighted, W)                        # (B, N, FILTERS)
    # activation='lrelu' with alpha=0.3
    out = jnp.where(out > 0, out, ALPHA * out)
    return out

if __name__ == "__main__":
    import jax
    _d = setup_inputs()
    print(jax.jit(kernel)(*tuple(_d.values())))

</pallas_src>

<mosaic_0001>
#map = affine_map<(d0, d1) -> (0)>
#map1 = affine_map<(d0, d1) -> (0, 0)>
module attributes {stable_mosaic.version = 14 : i64} {
  func.func @_sc_select_gather(%arg0: i32, %arg1: i32, %arg2: memref<16384xf32, #tpu.memory_space<hbm>>, %arg3: memref<16384xf32, #tpu.memory_space<hbm>>, %arg4: memref<16384xf32, #tpu.memory_space<hbm>>, %arg5: memref<16384x128xf32, #tpu.memory_space<hbm>>, %arg6: memref<262144x128xf32, #tpu.memory_space<hbm>>, %arg7: memref<262144xf32, #tpu.memory_space<hbm>>, %arg8: memref<262144xf32, #tpu.memory_space<hbm>>, %arg9: memref<262144xf32, #tpu.memory_space<hbm>>, %arg10: memref<262144xf32, #tpu.memory_space<hbm>>, %arg11: memref<4096xf32, #tpu.memory_space<vmem>>, %arg12: memref<4096xf32, #tpu.memory_space<vmem>>, %arg13: memref<4096xf32, #tpu.memory_space<vmem>>, %arg14: memref<4112xf32, #tpu.memory_space<vmem>>, %arg15: memref<4112xi32, #tpu.memory_space<vmem>>, %arg16: memref<8192xi32, #tpu.memory_space<vmem>>, %arg17: memref<8192xf32, #tpu.memory_space<vmem>>, %arg18: memref<8192xf32, #tpu.memory_space<vmem>>, %arg19: memref<8192xf32, #tpu.memory_space<vmem>>, %arg20: memref<8192xf32, #tpu.memory_space<vmem>>, %arg21: memref<128x128xf32, #tpu.memory_space<vmem>>, %arg22: memref<!tpu.dma_semaphore, #tpu.memory_space<semaphore_mem>>) attributes {dimension_semantics = [#tpu.dimension_semantics<core_parallel>, #tpu.dimension_semantics<subcore_parallel>], iteration_bounds = array<i64: 2, 16>, scalar_prefetch = 0 : i64, scratch_operands = 12 : i64, tpu.core_type = #tpu.core_type<sc_vector_subcore>, window_params = [{transform_indices = #map}, {transform_indices = #map}, {transform_indices = #map}, {transform_indices = #map1}, {transform_indices = #map1}, {transform_indices = #map}, {transform_indices = #map}, {transform_indices = #map}, {transform_indices = #map}]} {
    %mul3A = arith.constant 2 : i32
    %mul3A_0 = arith.muli %arg1, %mul3A : i32
    %add3A = arith.addi %mul3A_0, %arg0 : i32
    %shift_right_arithmetic3A = arith.constant 3 : i32
    %shift_right_arithmetic3A_1 = arith.shrsi %add3A, %shift_right_arithmetic3A : i32
    %and3A = arith.constant 7 : i32
    %and3A_2 = arith.andi %add3A, %and3A : i32
    %mul3A_3 = arith.constant 512 : i32
    %mul3A_4 = arith.muli %and3A_2, %mul3A_3 : i32
    %mul3A_5 = arith.constant 4096 : i32
    %mul3A_6 = arith.muli %shift_right_arithmetic3A_1, %mul3A_5 : i32
    %add3A_7 = arith.addi %mul3A_6, %mul3A_4 : i32
    %mul3A_8 = arith.constant 4096 : i32
    %mul3A_9 = arith.muli %shift_right_arithmetic3A_1, %mul3A_8 : i32
    "tpu.region"() ({
      %run_scoped3A = tpu.sem_alloc : memref<!tpu.dma_semaphore, #tpu.memory_space<semaphore_mem>>
      %dma_start3A = tpu.memref_slice %arg2[%mul3A_9] : memref<16384xf32, #tpu.memory_space<hbm>> -> memref<4096xf32, #tpu.memory_space<hbm>>
      %dma_start3A_27 = tpu.memref_slice %arg2[%mul3A_9] : memref<16384xf32, #tpu.memory_space<hbm>> -> memref<4096xf32, #tpu.memory_space<hbm>>
      tpu.enqueue_dma source(%dma_start3A_27 : memref<4096xf32, #tpu.memory_space<hbm>>) target(%arg11 : memref<4096xf32, #tpu.memory_space<vmem>>) target_semaphore(%run_scoped3A : memref<!tpu.dma_semaphore, #tpu.memory_space<semaphore_mem>>)
      %dma_wait3A = tpu.memref_slice %arg2[%mul3A_9] : memref<16384xf32, #tpu.memory_space<hbm>> -> memref<4096xf32, #tpu.memory_space<hbm>>
      %dma_wait3A_28 = tpu.memref_slice %arg2[%mul3A_9] : memref<16384xf32, #tpu.memory_space<hbm>> -> memref<4096xf32, #tpu.memory_space<hbm>>
      tpu.wait_dma2 semaphore(%run_scoped3A : memref<!tpu.dma_semaphore, #tpu.memory_space<semaphore_mem>>) src(%dma_wait3A_28 : memref<4096xf32, #tpu.memory_space<hbm>>) dst(%arg11 : memref<4096xf32, #tpu.memory_space<vmem>>)
      tpu.yield
    }) : () -> ()
    %mul3A_10 = arith.constant 4096 : i32
    %mul3A_11 = arith.muli %shift_right_arithmetic3A_1, %mul3A_10 : i32
    "tpu.region"() ({
      %run_scoped3A = tpu.sem_alloc : memref<!tpu.dma_semaphore, #tpu.memory_space<semaphore_mem>>
      %dma_start3A = tpu.memref_slice %arg3[%mul3A_11] : memref<16384xf32, #tpu.memory_space<hbm>> -> memref<4096xf32, #tpu.memory_space<hbm>>
      %dma_start3A_27 = tpu.memref_slice %arg3[%mul3A_11] : memref<16384xf32, #tpu.memory_space<hbm>> -> memref<4096xf32, #tpu.memory_space<hbm>>
      tpu.enqueue_dma source(%dma_start3A_27 : memref<4096xf32, #tpu.memory_space<hbm>>) target(%arg12 : memref<4096xf32, #tpu.memory_space<vmem>>) target_semaphore(%run_scoped3A : memref<!tpu.dma_semaphore, #tpu.memory_space<semaphore_mem>>)
      %dma_wait3A = tpu.memref_slice %arg3[%mul3A_11] : memref<16384xf32, #tpu.memory_space<hbm>> -> memref<4096xf32, #tpu.memory_space<hbm>>
      %dma_wait3A_28 = tpu.memref_slice %arg3[%mul3A_11] : memref<16384xf32, #tpu.memory_space<hbm>> -> memref<4096xf32, #tpu.memory_space<hbm>>
      tpu.wait_dma2 semaphore(%run_scoped3A : memref<!tpu.dma_semaphore, #tpu.memory_space<semaphore_mem>>) src(%dma_wait3A_28 : memref<4096xf32, #tpu.memory_space<hbm>>) dst(%arg12 : memref<4096xf32, #tpu.memory_space<vmem>>)
      tpu.yield
    }) : () -> ()
    %mul3A_12 = arith.constant 4096 : i32
    %mul3A_13 = arith.muli %shift_right_arithmetic3A_1, %mul3A_12 : i32
    "tpu.region"() ({
      %run_scoped3A = tpu.sem_alloc : memref<!tpu.dma_semaphore, #tpu.memory_space<semaphore_mem>>
      %dma_start3A = tpu.memref_slice %arg4[%mul3A_13] : memref<16384xf32, #tpu.memory_space<hbm>> -> memref<4096xf32, #tpu.memory_space<hbm>>
      %dma_start3A_27 = tpu.memref_slice %arg4[%mul3A_13] : memref<16384xf32, #tpu.memory_space<hbm>> -> memref<4096xf32, #tpu.memory_space<hbm>>
      tpu.enqueue_dma source(%dma_start3A_27 : memref<4096xf32, #tpu.memory_space<hbm>>) target(%arg13 : memref<4096xf32, #tpu.memory_space<vmem>>) target_semaphore(%run_scoped3A : memref<!tpu.dma_semaphore, #tpu.memory_space<semaphore_mem>>)
      %dma_wait3A = tpu.memref_slice %arg4[%mul3A_13] : memref<16384xf32, #tpu.memory_space<hbm>> -> memref<4096xf32, #tpu.memory_space<hbm>>
      %dma_wait3A_28 = tpu.memref_slice %arg4[%mul3A_13] : memref<16384xf32, #tpu.memory_space<hbm>> -> memref<4096xf32, #tpu.memory_space<hbm>>
      tpu.wait_dma2 semaphore(%run_scoped3A : memref<!tpu.dma_semaphore, #tpu.memory_space<semaphore_mem>>) src(%dma_wait3A_28 : memref<4096xf32, #tpu.memory_space<hbm>>) dst(%arg13 : memref<4096xf32, #tpu.memory_space<vmem>>)
      tpu.yield
    }) : () -> ()
    %iota3A = tpu.iota {dimensions = array<i32: 0>} : vector<16xi32>
    %scan3A = arith.constant 0 : i32
    %scan3A_14 = arith.constant 0 : i32
    %scan3A_15 = arith.constant 512 : i32
    %scan3A_16 = arith.addi %scan3A_14, %scan3A_15 : i32
    %scan3A_17 = arith.constant 1 : i32
    scf.for %scan3A_27 = %scan3A_14 to %scan3A_16 step %scan3A_17  : i32 {
      %add3A_28 = arith.addi %mul3A_4, %scan3A_27 : i32
      %broadcast_in_dim3A = vector.broadcast %add3A_28 : i32 to vector<16xi32>
      %gather3A = tpu.vector_load_idx %arg11[%broadcast_in_dim3A] : memref<4096xf32, #tpu.memory_space<vmem>>[vector<16xi32>], vector<16xf32>,
      %gather3A_29 = tpu.vector_load_idx %arg12[%broadcast_in_dim3A] : memref<4096xf32, #tpu.memory_space<vmem>>[vector<16xi32>], vector<16xf32>,
      %gather3A_30 = tpu.vector_load_idx %arg13[%broadcast_in_dim3A] : memref<4096xf32, #tpu.memory_space<vmem>>[vector<16xi32>], vector<16xf32>,
      %broadcast_in_dim3A_31 = arith.constant 0 : i32
      %broadcast_in_dim3A_32 = vector.broadcast %broadcast_in_dim3A_31 : i32 to vector<16xi32>
      %parallel_loop3A = arith.constant 0 : i32
      %parallel_loop3A_33 = arith.constant 4096 : i32
      %parallel_loop3A_34 = arith.constant 16 : i32
      %parallel_loop3A_35 = scf.for %parallel_loop3A_86 = %parallel_loop3A to %parallel_loop3A_33 step %parallel_loop3A_34 iter_args(%parallel_loop3A_87 = %broadcast_in_dim3A_32) -> (vector<16xi32>)  : i32 {
        %parallel_loop3A_88 = arith.index_cast %parallel_loop3A_86 : i32 to index
        %parallel_loop3A_89 = tpu.vector_load %arg11[%parallel_loop3A_88] {strides = array<i32>} : memref<4096xf32, #tpu.memory_space<vmem>>, vector<16xf32>,
        %parallel_loop3A_90 = arith.index_cast %parallel_loop3A_86 : i32 to index
        %parallel_loop3A_91 = tpu.vector_load %arg12[%parallel_loop3A_90] {strides = array<i32>} : memref<4096xf32, #tpu.memory_space<vmem>>, vector<16xf32>,
        %parallel_loop3A_92 = arith.index_cast %parallel_loop3A_86 : i32 to index
        %parallel_loop3A_93 = tpu.vector_load %arg13[%parallel_loop3A_92] {strides = array<i32>} : memref<4096xf32, #tpu.memory_space<vmem>>, vector<16xf32>,
        %parallel_loop3A_94 = arith.subf %parallel_loop3A_89, %gather3A : vector<16xf32>
        %parallel_loop3A_95 = arith.subf %parallel_loop3A_91, %gather3A_29 : vector<16xf32>
        %parallel_loop3A_96 = arith.subf %parallel_loop3A_93, %gather3A_30 : vector<16xf32>
        %parallel_loop3A_97 = arith.mulf %parallel_loop3A_94, %parallel_loop3A_94 : vector<16xf32>
        %parallel_loop3A_98 = arith.mulf %parallel_loop3A_95, %parallel_loop3A_95 : vector<16xf32>
        %parallel_loop3A_99 = arith.addf %parallel_loop3A_97, %parallel_loop3A_98 : vector<16xf32>
        %parallel_loop3A_100 = arith.mulf %parallel_loop3A_96, %parallel_loop3A_96 : vector<16xf32>
        %parallel_loop3A_101 = arith.addf %parallel_loop3A_99, %parallel_loop3A_100 : vector<16xf32>
        %parallel_loop3A_102 = arith.constant 4.000000e-02 : f32
        %parallel_loop3A_103 = vector.broadcast %parallel_loop3A_102 : f32 to vector<16xf32>
        %parallel_loop3A_104 = arith.cmpf olt, %parallel_loop3A_101, %parallel_loop3A_103 : vector<16xf32>
        %parallel_loop3A_105 = arith.extui %parallel_loop3A_104 : vector<16xi1> to vector<16xi32>
        %parallel_loop3A_106 = arith.constant true
        %parallel_loop3A_107 = vector.broadcast %parallel_loop3A_106 : i1 to vector<16xi1>
        %parallel_loop3A_108 = tpu.scan <sum>, %parallel_loop3A_105 masked %parallel_loop3A_107 : vector<16xi32>, vector<16xi1> -> vector<16xi32>
        %parallel_loop3A_109 = arith.constant 1 : i32
        %parallel_loop3A_110 = vector.broadcast %parallel_loop3A_109 : i32 to vector<16xi32>
        %parallel_loop3A_111 = arith.subi %parallel_loop3A_108, %parallel_loop3A_110 : vector<16xi32>
        %parallel_loop3A_112 = arith.addi %parallel_loop3A_111, %parallel_loop3A_87 : vector<16xi32>
        tpu.vector_store_idx %arg14[%parallel_loop3A_112], %parallel_loop3A_101 masked %parallel_loop3A_104 : memref<4112xf32, #tpu.memory_space<vmem>>[vector<16xi32>], vector<16xf32>, vector<16xi1>
        %parallel_loop3A_113 = vector.broadcast %parallel_loop3A_86 : i32 to vector<16xi32>
        %parallel_loop3A_114 = arith.addi %iota3A, %parallel_loop3A_113 : vector<16xi32>
        tpu.vector_store_idx %arg15[%parallel_loop3A_112], %parallel_loop3A_114 masked %parallel_loop3A_104 : memref<4112xi32, #tpu.memory_space<vmem>>[vector<16xi32>], vector<16xi32>, vector<16xi1>
        %parallel_loop3A_115 = tpu.all_reduce %parallel_loop3A_104 {dim = 0 : i64, kind = #tpu.reduction_kind<sum>} : vector<16xi1> -> vector<16xi32>
        %parallel_loop3A_116 = arith.addi %parallel_loop3A_87, %parallel_loop3A_115 : vector<16xi32>
        scf.yield %parallel_loop3A_116 : vector<16xi32>
      } {sc.loop_unroll_factor = 1 : i64, sc.parallel_access}
      %reduce_max3A = arith.constant true
      %reduce_max3A_36 = vector.broadcast %reduce_max3A : i1 to vector<16xi1>
      %reduce_max3A_37 = arith.constant -2147483648 : i32
      %reduce_max3A_38 = vector.broadcast %reduce_max3A_37 : i32 to vector<16xi32>
      %reduce_max3A_39 = arith.xori %parallel_loop3A_35, %reduce_max3A_38 : vector<16xi32>
      %reduce_max3A_40 = tpu.scan <max>, %reduce_max3A_39 masked %reduce_max3A_36 : vector<16xi32>, vector<16xi1> -> vector<16xi32>
      %reduce_max3A_41 = arith.xori %reduce_max3A_40, %reduce_max3A_38 : vector<16xi32>
      %reduce_max3A_42 = vector.extract %reduce_max3A_41[15] : i32 from vector<16xi32>
      %add3A_43 = arith.addi %parallel_loop3A_35, %iota3A : vector<16xi32>
      %broadcast_in_dim3A_44 = arith.constant 1.000000e+30 : f32
      %broadcast_in_dim3A_45 = vector.broadcast %broadcast_in_dim3A_44 : f32 to vector<16xf32>
      tpu.vector_store_idx %arg14[%add3A_43], %broadcast_in_dim3A_45 : memref<4112xf32, #tpu.memory_space<vmem>>[vector<16xi32>], vector<16xf32>,
      tpu.vector_store_idx %arg15[%add3A_43], %broadcast_in_dim3A : memref<4112xi32, #tpu.memory_space<vmem>>[vector<16xi32>], vector<16xi32>,
      %get3A = arith.constant 0 : index
      %get3A_46 = tpu.vector_load %arg14[%get3A] {strides = array<i32>} : memref<4112xf32, #tpu.memory_space<vmem>>, vector<16xf32>,
      %get3A_47 = arith.constant 0 : index
      %get3A_48 = tpu.vector_load %arg15[%get3A_47] {strides = array<i32>} : memref<4112xi32, #tpu.memory_space<vmem>>, vector<16xi32>,
      %masked_sort3A = arith.constant dense<true> : vector<16xi1>
      %masked_sort3A_49, %masked_sort3A_50, %masked_sort3A_51 = tpu.sort %get3A_46, %get3A_48 masked %masked_sort3A : (vector<16xf32>, vector<16xi32>, vector<16xi1>) -> (vector<16xi1>, vector<16xf32>, vector<16xi32>)
      %add3A_52 = arith.constant 15 : i32
      %add3A_53 = arith.addi %reduce_max3A_42, %add3A_52 : i32
      %shift_right_arithmetic3A_54 = arith.constant 4 : i32
      %shift_right_arithmetic3A_55 = arith.shrsi %add3A_53, %shift_right_arithmetic3A_54 : i32
      %while3A = arith.constant 1 : i32
      %while3A_56 = arith.subi %shift_right_arithmetic3A_55, %while3A : i32
      %while3A_57 = arith.addi %while3A, %while3A_56 : i32
      %while3A_58 = arith.constant 1 : i32
      %while3A_59 = arith.divsi %while3A_56, %while3A_58 : i32
      %while3A_60 = arith.muli %while3A_59, %while3A_58 : i32
      %while3A_61 = arith.addi %while3A, %while3A_60 : i32
      %while3A_62 = arith.constant 1 : i32
      %while3A_63:2 = scf.for %while3A_86 = %while3A to %while3A_61 step %while3A_62 iter_args(%while3A_87 = %masked_sort3A_50, %while3A_88 = %masked_sort3A_51) -> (vector<16xf32>, vector<16xi32>)  : i32 {
        %mul3A_89 = arith.constant 16 : i32
        %mul3A_90 = arith.muli %while3A_86, %mul3A_89 : i32
        %get3A_91 = arith.index_cast %mul3A_90 : i32 to index
        %get3A_92 = tpu.vector_load %arg14[%get3A_91] {strides = array<i32>} : memref<4112xf32, #tpu.memory_space<vmem>>, vector<16xf32>,
        %mul3A_93 = arith.constant 16 : i32
        %mul3A_94 = arith.muli %while3A_86, %mul3A_93 : i32
        %get3A_95 = arith.index_cast %mul3A_94 : i32 to index
        %get3A_96 = tpu.vector_load %arg15[%get3A_95] {strides = array<i32>} : memref<4112xi32, #tpu.memory_space<vmem>>, vector<16xi32>,
        %masked_sort3A_97 = arith.constant dense<true> : vector<16xi1>
        %masked_sort3A_98, %masked_sort3A_99, %masked_sort3A_100 = tpu.sort %get3A_92, %get3A_96 masked %masked_sort3A_97 : (vector<16xf32>, vector<16xi32>, vector<16xi1>) -> (vector<16xi1>, vector<16xf32>, vector<16xi32>)
        %rev3A = arith.constant 15 : i32
        %rev3A_101 = vector.broadcast %rev3A : i32 to vector<16xi32>
        %rev3A_102 = tpu.iota {dimensions = array<i32: 0>} : vector<16xi32>
        %rev3A_103 = arith.subi %rev3A_101, %rev3A_102 : vector<16xi32>
        %rev3A_104 = tpu.dynamic_gather %masked_sort3A_99[%rev3A_103] in [0] : vector<16xf32>, vector<16xi32> -> vector<16xf32>
        %rev3A_105 = arith.constant 15 : i32
        %rev3A_106 = vector.broadcast %rev3A_105 : i32 to vector<16xi32>
        %rev3A_107 = tpu.iota {dimensions = array<i32: 0>} : vector<16xi32>
        %rev3A_108 = arith.subi %rev3A_106, %rev3A_107 : vector<16xi32>
        %rev3A_109 = tpu.dynamic_gather %masked_sort3A_100[%rev3A_108] in [0] : vector<16xi32>, vector<16xi32> -> vector<16xi32>
        %le3A = arith.cmpf ole, %while3A_87, %rev3A_104 : vector<16xf32>
        %select_n3A = arith.select %le3A, %while3A_87, %rev3A_104 : vector<16xi1>, vector<16xf32>
        %select_n3A_110 = arith.select %le3A, %while3A_88, %rev3A_109 : vector<16xi1>, vector<16xi32>
        %masked_sort3A_111 = arith.constant dense<true> : vector<16xi1>
        %masked_sort3A_112, %masked_sort3A_113, %masked_sort3A_114 = tpu.sort %select_n3A, %select_n3A_110 masked %masked_sort3A_111 : (vector<16xf32>, vector<16xi32>, vector<16xi1>) -> (vector<16xi1>, vector<16xf32>, vector<16xi32>)
        scf.yield %masked_sort3A_113, %masked_sort3A_114 : vector<16xf32>, vector<16xi32>
      }
      %while3A_64 = arith.constant 1 : i32
      %while3A_65:2 = scf.for %while3A_86 = %while3A_61 to %while3A_57 step %while3A_64 iter_args(%while3A_87 = %while3A_63#0, %while3A_88 = %while3A_63#1) -> (vector<16xf32>, vector<16xi32>)  : i32 {
        %mul3A_89 = arith.constant 16 : i32
        %mul3A_90 = arith.muli %while3A_86, %mul3A_89 : i32
        %get3A_91 = arith.index_cast %mul3A_90 : i32 to index
        %get3A_92 = tpu.vector_load %arg14[%get3A_91] {strides = array<i32>} : memref<4112xf32, #tpu.memory_space<vmem>>, vector<16xf32>,
        %mul3A_93 = arith.constant 16 : i32
        %mul3A_94 = arith.muli %while3A_86, %mul3A_93 : i32
        %get3A_95 = arith.index_cast %mul3A_94 : i32 to index
        %get3A_96 = tpu.vector_load %arg15[%get3A_95] {strides = array<i32>} : memref<4112xi32, #tpu.memory_space<vmem>>, vector<16xi32>,
        %masked_sort3A_97 = arith.constant dense<true> : vector<16xi1>
        %masked_sort3A_98, %masked_sort3A_99, %masked_sort3A_100 = tpu.sort %get3A_92, %get3A_96 masked %masked_sort3A_97 : (vector<16xf32>, vector<16xi32>, vector<16xi1>) -> (vector<16xi1>, vector<16xf32>, vector<16xi32>)
        %rev3A = arith.constant 15 : i32
        %rev3A_101 = vector.broadcast %rev3A : i32 to vector<16xi32>
        %rev3A_102 = tpu.iota {dimensions = array<i32: 0>} : vector<16xi32>
        %rev3A_103 = arith.subi %rev3A_101, %rev3A_102 : vector<16xi32>
        %rev3A_104 = tpu.dynamic_gather %masked_sort3A_99[%rev3A_103] in [0] : vector<16xf32>, vector<16xi32> -> vector<16xf32>
        %rev3A_105 = arith.constant 15 : i32
        %rev3A_106 = vector.broadcast %rev3A_105 : i32 to vector<16xi32>
        %rev3A_107 = tpu.iota {dimensions = array<i32: 0>} : vector<16xi32>
        %rev3A_108 = arith.subi %rev3A_106, %rev3A_107 : vector<16xi32>
        %rev3A_109 = tpu.dynamic_gather %masked_sort3A_100[%rev3A_108] in [0] : vector<16xi32>, vector<16xi32> -> vector<16xi32>
        %le3A = arith.cmpf ole, %while3A_87, %rev3A_104 : vector<16xf32>
        %select_n3A = arith.select %le3A, %while3A_87, %rev3A_104 : vector<16xi1>, vector<16xf32>
        %select_n3A_110 = arith.select %le3A, %while3A_88, %rev3A_109 : vector<16xi1>, vector<16xi32>
        %masked_sort3A_111 = arith.constant dense<true> : vector<16xi1>
        %masked_sort3A_112, %masked_sort3A_113, %masked_sort3A_114 = tpu.sort %select_n3A, %select_n3A_110 masked %masked_sort3A_111 : (vector<16xf32>, vector<16xi32>, vector<16xi1>) -> (vector<16xi1>, vector<16xf32>, vector<16xi32>)
        scf.yield %masked_sort3A_113, %masked_sort3A_114 : vector<16xf32>, vector<16xi32>
      }
      %gather3A_66 = tpu.vector_load_idx %arg11[%while3A_65#1] : memref<4096xf32, #tpu.memory_space<vmem>>[vector<16xi32>], vector<16xf32>,
      %sub3A = arith.subf %gather3A_66, %gather3A : vector<16xf32>
      %gather3A_67 = tpu.vector_load_idx %arg12[%while3A_65#1] : memref<4096xf32, #tpu.memory_space<vmem>>[vector<16xi32>], vector<16xf32>,
      %sub3A_68 = arith.subf %gather3A_67, %gather3A_29 : vector<16xf32>
      %gather3A_69 = tpu.vector_load_idx %arg13[%while3A_65#1] : memref<4096xf32, #tpu.memory_space<vmem>>[vector<16xi32>], vector<16xf32>,
      %sub3A_70 = arith.subf %gather3A_69, %gather3A_30 : vector<16xf32>
      %mul3A_71 = arith.constant 16 : i32
      %mul3A_72 = arith.muli %scan3A_27, %mul3A_71 : i32
      %swap3A = arith.index_cast %mul3A_72 : i32 to index
      %swap3A_73 = tpu.vector_load %arg18[%swap3A] {strides = array<i32>} : memref<8192xf32, #tpu.memory_space<vmem>>, vector<16xf32>,
      tpu.vector_store %arg18[%swap3A], %sub3A {strides = array<i32>} : memref<8192xf32, #tpu.memory_space<vmem>>, vector<16xf32>,
      %swap3A_74 = arith.index_cast %mul3A_72 : i32 to index
      %swap3A_75 = tpu.vector_load %arg19[%swap3A_74] {strides = array<i32>} : memref<8192xf32, #tpu.memory_space<vmem>>, vector<16xf32>,
      tpu.vector_store %arg19[%swap3A_74], %sub3A_68 {strides = array<i32>} : memref<8192xf32, #tpu.memory_space<vmem>>, vector<16xf32>,
      %swap3A_76 = arith.index_cast %mul3A_72 : i32 to index
      %swap3A_77 = tpu.vector_load %arg20[%swap3A_76] {strides = array<i32>} : memref<8192xf32, #tpu.memory_space<vmem>>, vector<16xf32>,
      tpu.vector_store %arg20[%swap3A_76], %sub3A_70 {strides = array<i32>} : memref<8192xf32, #tpu.memory_space<vmem>>, vector<16xf32>,
      %swap3A_78 = arith.index_cast %mul3A_72 : i32 to index
      %swap3A_79 = tpu.vector_load %arg17[%swap3A_78] {strides = array<i32>} : memref<8192xf32, #tpu.memory_space<vmem>>, vector<16xf32>,
      tpu.vector_store %arg17[%swap3A_78], %while3A_65#0 {strides = array<i32>} : memref<8192xf32, #tpu.memory_space<vmem>>, vector<16xf32>,
      %mul3A_80 = arith.constant 4096 : i32
      %mul3A_81 = arith.muli %shift_right_arithmetic3A_1, %mul3A_80 : i32
      %add3A_82 = vector.broadcast %mul3A_81 : i32 to vector<16xi32>
      %add3A_83 = arith.addi %while3A_65#1, %add3A_82 : vector<16xi32>
      %swap3A_84 = arith.index_cast %mul3A_72 : i32 to index
      %swap3A_85 = tpu.vector_load %arg16[%swap3A_84] {strides = array<i32>} : memref<8192xi32, #tpu.memory_space<vmem>>, vector<16xi32>,
      tpu.vector_store %arg16[%swap3A_84], %add3A_83 {strides = array<i32>} : memref<8192xi32, #tpu.memory_space<vmem>>, vector<16xi32>,
    }
    %scan3A_18 = arith.constant 512 : i32
    %mul3A_19 = arith.constant 16 : i32
    %mul3A_20 = arith.muli %add3A_7, %mul3A_19 : i32
    "tpu.region"() ({
      %run_scoped3A = tpu.sem_alloc : memref<!tpu.dma_semaphore, #tpu.memory_space<semaphore_mem>>
      %dma_start3A = tpu.memref_slice %arg7[%mul3A_20] : memref<262144xf32, #tpu.memory_space<hbm>> -> memref<8192xf32, #tpu.memory_space<hbm>>
      %dma_start3A_27 = tpu.memref_slice %arg7[%mul3A_20] : memref<262144xf32, #tpu.memory_space<hbm>> -> memref<8192xf32, #tpu.memory_space<hbm>>
      tpu.enqueue_dma source(%arg18 : memref<8192xf32, #tpu.memory_space<vmem>>) target(%dma_start3A_27 : memref<8192xf32, #tpu.memory_space<hbm>>) target_semaphore(%run_scoped3A : memref<!tpu.dma_semaphore, #tpu.memory_space<semaphore_mem>>)
      %dma_wait3A = tpu.memref_slice %arg7[%mul3A_20] : memref<262144xf32, #tpu.memory_space<hbm>> -> memref<8192xf32, #tpu.memory_space<hbm>>
      %dma_wait3A_28 = tpu.memref_slice %arg7[%mul3A_20] : memref<262144xf32, #tpu.memory_space<hbm>> -> memref<8192xf32, #tpu.memory_space<hbm>>
      tpu.wait_dma2 semaphore(%run_scoped3A : memref<!tpu.dma_semaphore, #tpu.memory_space<semaphore_mem>>) src(%arg18 : memref<8192xf32, #tpu.memory_space<vmem>>) dst(%dma_wait3A_28 : memref<8192xf32, #tpu.memory_space<hbm>>)
      tpu.yield
    }) : () -> ()
    "tpu.region"() ({
      %run_scoped3A = tpu.sem_alloc : memref<!tpu.dma_semaphore, #tpu.memory_space<semaphore_mem>>
      %dma_start3A = tpu.memref_slice %arg8[%mul3A_20] : memref<262144xf32, #tpu.memory_space<hbm>> -> memref<8192xf32, #tpu.memory_space<hbm>>
      %dma_start3A_27 = tpu.memref_slice %arg8[%mul3A_20] : memref<262144xf32, #tpu.memory_space<hbm>> -> memref<8192xf32, #tpu.memory_space<hbm>>
      tpu.enqueue_dma source(%arg19 : memref<8192xf32, #tpu.memory_space<vmem>>) target(%dma_start3A_27 : memref<8192xf32, #tpu.memory_space<hbm>>) target_semaphore(%run_scoped3A : memref<!tpu.dma_semaphore, #tpu.memory_space<semaphore_mem>>)
      %dma_wait3A = tpu.memref_slice %arg8[%mul3A_20] : memref<262144xf32, #tpu.memory_space<hbm>> -> memref<8192xf32, #tpu.memory_space<hbm>>
      %dma_wait3A_28 = tpu.memref_slice %arg8[%mul3A_20] : memref<262144xf32, #tpu.memory_space<hbm>> -> memref<8192xf32, #tpu.memory_space<hbm>>
      tpu.wait_dma2 semaphore(%run_scoped3A : memref<!tpu.dma_semaphore, #tpu.memory_space<semaphore_mem>>) src(%arg19 : memref<8192xf32, #tpu.memory_space<vmem>>) dst(%dma_wait3A_28 : memref<8192xf32, #tpu.memory_space<hbm>>)
      tpu.yield
    }) : () -> ()
    "tpu.region"() ({
      %run_scoped3A = tpu.sem_alloc : memref<!tpu.dma_semaphore, #tpu.memory_space<semaphore_mem>>
      %dma_start3A = tpu.memref_slice %arg9[%mul3A_20] : memref<262144xf32, #tpu.memory_space<hbm>> -> memref<8192xf32, #tpu.memory_space<hbm>>
      %dma_start3A_27 = tpu.memref_slice %arg9[%mul3A_20] : memref<262144xf32, #tpu.memory_space<hbm>> -> memref<8192xf32, #tpu.memory_space<hbm>>
      tpu.enqueue_dma source(%arg20 : memref<8192xf32, #tpu.memory_space<vmem>>) target(%dma_start3A_27 : memref<8192xf32, #tpu.memory_space<hbm>>) target_semaphore(%run_scoped3A : memref<!tpu.dma_semaphore, #tpu.memory_space<semaphore_mem>>)
      %dma_wait3A = tpu.memref_slice %arg9[%mul3A_20] : memref<262144xf32, #tpu.memory_space<hbm>> -> memref<8192xf32, #tpu.memory_space<hbm>>
      %dma_wait3A_28 = tpu.memref_slice %arg9[%mul3A_20] : memref<262144xf32, #tpu.memory_space<hbm>> -> memref<8192xf32, #tpu.memory_space<hbm>>
      tpu.wait_dma2 semaphore(%run_scoped3A : memref<!tpu.dma_semaphore, #tpu.memory_space<semaphore_mem>>) src(%arg20 : memref<8192xf32, #tpu.memory_space<vmem>>) dst(%dma_wait3A_28 : memref<8192xf32, #tpu.memory_space<hbm>>)
      tpu.yield
    }) : () -> ()
    "tpu.region"() ({
      %run_scoped3A = tpu.sem_alloc : memref<!tpu.dma_semaphore, #tpu.memory_space<semaphore_mem>>
      %dma_start3A = tpu.memref_slice %arg10[%mul3A_20] : memref<262144xf32, #tpu.memory_space<hbm>> -> memref<8192xf32, #tpu.memory_space<hbm>>
      %dma_start3A_27 = tpu.memref_slice %arg10[%mul3A_20] : memref<262144xf32, #tpu.memory_space<hbm>> -> memref<8192xf32, #tpu.memory_space<hbm>>
      tpu.enqueue_dma source(%arg17 : memref<8192xf32, #tpu.memory_space<vmem>>) target(%dma_start3A_27 : memref<8192xf32, #tpu.memory_space<hbm>>) target_semaphore(%run_scoped3A : memref<!tpu.dma_semaphore, #tpu.memory_space<semaphore_mem>>)
      %dma_wait3A = tpu.memref_slice %arg10[%mul3A_20] : memref<262144xf32, #tpu.memory_space<hbm>> -> memref<8192xf32, #tpu.memory_space<hbm>>
      %dma_wait3A_28 = tpu.memref_slice %arg10[%mul3A_20] : memref<262144xf32, #tpu.memory_space<hbm>> -> memref<8192xf32, #tpu.memory_space<hbm>>
      tpu.wait_dma2 semaphore(%run_scoped3A : memref<!tpu.dma_semaphore, #tpu.memory_space<semaphore_mem>>) src(%arg17 : memref<8192xf32, #tpu.memory_space<vmem>>) dst(%dma_wait3A_28 : memref<8192xf32, #tpu.memory_space<hbm>>)
      tpu.yield
    }) : () -> ()
    %scan3A_21 = arith.constant 0 : i32
    %scan3A_22 = arith.constant 0 : i32
    %scan3A_23 = arith.constant 64 : i32
    %scan3A_24 = arith.addi %scan3A_22, %scan3A_23 : i32
    %scan3A_25 = arith.constant 1 : i32
    scf.for %scan3A_27 = %scan3A_22 to %scan3A_24 step %scan3A_25  : i32 {
      %mul3A_28 = arith.constant 8 : i32
      %mul3A_29 = arith.muli %scan3A_27, %mul3A_28 : i32
      %mul3A_30 = arith.constant 16 : i32
      %mul3A_31 = arith.muli %mul3A_29, %mul3A_30 : i32
      %dma_start3A = tpu.memref_slice %arg16[%mul3A_31] : memref<8192xi32, #tpu.memory_space<vmem>> -> memref<128xi32, #tpu.memory_space<vmem>>
      %dma_start3A_32 = arith.constant 0 : i32
      %dma_start3A_33 = arith.constant 0 : i32
      %dma_start3A_34 = tpu.memref_slice %arg5[%dma_start3A_32, %dma_start3A_33] : memref<16384x128xf32, #tpu.memory_space<hbm>> -> memref<16384x128xf32, #tpu.memory_space<hbm>>
      tpu.enqueue_indirect_dma source(%dma_start3A_34 : memref<16384x128xf32, #tpu.memory_space<hbm>>) target(%arg21 : memref<128x128xf32, #tpu.memory_space<vmem>>) offsets(%dma_start3A : memref<128xi32, #tpu.memory_space<vmem>>) semaphore(%arg22 : memref<!tpu.dma_semaphore, #tpu.memory_space<semaphore_mem>>)
      %dma_wait3A = tpu.memref_slice %arg16[%mul3A_31] : memref<8192xi32, #tpu.memory_space<vmem>> -> memref<128xi32, #tpu.memory_space<vmem>>
      %dma_wait3A_35 = arith.constant 0 : i32
      %dma_wait3A_36 = arith.constant 0 : i32
      %dma_wait3A_37 = tpu.memref_slice %arg5[%dma_wait3A_35, %dma_wait3A_36] : memref<16384x128xf32, #tpu.memory_space<hbm>> -> memref<16384x128xf32, #tpu.memory_space<hbm>>
      tpu.wait_indirect_dma semaphore(%arg22 : memref<!tpu.dma_semaphore, #tpu.memory_space<semaphore_mem>>) src(%dma_wait3A_37 : memref<16384x128xf32, #tpu.memory_space<hbm>>) dst(%arg21 : memref<128x128xf32, #tpu.memory_space<vmem>>)
      %mul3A_38 = arith.constant 16 : i32
      %mul3A_39 = arith.muli %add3A_7, %mul3A_38 : i32
      %add3A_40 = arith.addi %mul3A_39, %mul3A_31 : i32
      "tpu.region"() ({
        %run_scoped3A = tpu.sem_alloc : memref<!tpu.dma_semaphore, #tpu.memory_space<semaphore_mem>>
        %dma_start3A_41 = arith.constant 0 : i32
        %dma_start3A_42 = tpu.memref_slice %arg6[%add3A_40, %dma_start3A_41] : memref<262144x128xf32, #tpu.memory_space<hbm>> -> memref<128x128xf32, #tpu.memory_space<hbm>>
        %dma_start3A_43 = arith.constant 0 : i32
        %dma_start3A_44 = tpu.memref_slice %arg6[%add3A_40, %dma_start3A_43] : memref<262144x128xf32, #tpu.memory_space<hbm>> -> memref<128x128xf32, #tpu.memory_space<hbm>>
        tpu.enqueue_dma source(%arg21 : memref<128x128xf32, #tpu.memory_space<vmem>>) target(%dma_start3A_44 : memref<128x128xf32, #tpu.memory_space<hbm>>) target_semaphore(%run_scoped3A : memref<!tpu.dma_semaphore, #tpu.memory_space<semaphore_mem>>)
        %dma_wait3A_45 = arith.constant 0 : i32
        %dma_wait3A_46 = tpu.memref_slice %arg6[%add3A_40, %dma_wait3A_45] : memref<262144x128xf32, #tpu.memory_space<hbm>> -> memref<128x128xf32, #tpu.memory_space<hbm>>
        %dma_wait3A_47 = arith.constant 0 : i32
        %dma_wait3A_48 = tpu.memref_slice %arg6[%add3A_40, %dma_wait3A_47] : memref<262144x128xf32, #tpu.memory_space<hbm>> -> memref<128x128xf32, #tpu.memory_space<hbm>>
        tpu.wait_dma2 semaphore(%run_scoped3A : memref<!tpu.dma_semaphore, #tpu.memory_space<semaphore_mem>>) src(%arg21 : memref<128x128xf32, #tpu.memory_space<vmem>>) dst(%dma_wait3A_48 : memref<128x128xf32, #tpu.memory_space<hbm>>)
        tpu.yield
      }) : () -> ()
    }
    %scan3A_26 = arith.constant 64 : i32
    return
  }
}

module attributes {stable_mosaic.version = 14 : i64} {
  func.func @_tc_weight_reduce(%arg0: i32, %arg1: memref<2048x128xf32, #tpu.memory_space<vmem>>, %arg2: memref<128x16xf32, #tpu.memory_space<vmem>>, %arg3: memref<128x16xf32, #tpu.memory_space<vmem>>, %arg4: memref<128x16xf32, #tpu.memory_space<vmem>>, %arg5: memref<128x16xf32, #tpu.memory_space<vmem>>, %arg6: memref<15x3xf32, #tpu.memory_space<smem>>, %arg7: memref<15x67x64xf32, #tpu.memory_space<vmem>>, %arg8: memref<128x64xf32, #tpu.memory_space<vmem>>) attributes {dimension_semantics = [#tpu.dimension_semantics<arbitrary>], iteration_bounds = array<i64: 128>, scalar_prefetch = 0 : i64, scratch_operands = 0 : i64, tpu.core_type = #tpu.core_type<tc>, window_params = [{transform_indices = @transform_0, window_bounds = array<i64: 2048, 128>}, {transform_indices = @transform_1, window_bounds = array<i64: 128, 16>}, {transform_indices = @transform_2, window_bounds = array<i64: 128, 16>}, {transform_indices = @transform_3, window_bounds = array<i64: 128, 16>}, {transform_indices = @transform_4, window_bounds = array<i64: 128, 16>}, {transform_indices = @transform_5, window_bounds = array<i64: 15, 3>}, {pipeline_mode = #tpu.pipeline_mode<synchronous>, transform_indices = @transform_6, window_bounds = array<i64: 15, 67, 64>}, {transform_indices = @transform_7, window_bounds = array<i64: 128, 64>}]} {
    %get3A = arith.constant 0 : index
    %get3A_0 = arith.constant 0 : index
    %get3A_1 = vector.load %arg1[%get3A, %get3A_0] : memref<2048x128xf32, #tpu.memory_space<vmem>>, vector<2048x128xf32>
    %get3A_2 = arith.constant 0 : index
    %get3A_3 = arith.constant 0 : index
    %get3A_4 = vector.load %arg2[%get3A_2, %get3A_3] : memref<128x16xf32, #tpu.memory_space<vmem>>, vector<128x16xf32>
    %get3A_5 = arith.constant 0 : index
    %get3A_6 = arith.constant 0 : index
    %get3A_7 = vector.load %arg3[%get3A_5, %get3A_6] : memref<128x16xf32, #tpu.memory_space<vmem>>, vector<128x16xf32>
    %get3A_8 = arith.constant 0 : index
    %get3A_9 = arith.constant 0 : index
    %get3A_10 = vector.load %arg4[%get3A_8, %get3A_9] : memref<128x16xf32, #tpu.memory_space<vmem>>, vector<128x16xf32>
    %get3A_11 = arith.constant 0 : index
    %get3A_12 = arith.constant 0 : index
    %get3A_13 = vector.load %arg5[%get3A_11, %get3A_12] : memref<128x16xf32, #tpu.memory_space<vmem>>, vector<128x16xf32>
    %lt3A = arith.constant 4.000000e-02 : f32
    %lt3A_14 = vector.broadcast %lt3A : f32 to vector<128x16xf32>
    %lt3A_15 = arith.cmpf olt, %get3A_13, %lt3A_14 : vector<128x16xf32>
    %jit3A = arith.constant 1.000000e+00 : f32
    %jit3A_16 = arith.constant 0.000000e+00 : f32
    %broadcast_in_dim3A = vector.broadcast %jit3A : f32 to vector<128x16xf32>
    %broadcast_in_dim3A_17 = vector.broadcast %jit3A_16 : f32 to vector<128x16xf32>
    %select_n3A = arith.select %lt3A_15, %broadcast_in_dim3A, %broadcast_in_dim3A_17 : vector<128x16xi1>, vector<128x16xf32>
    %broadcast_in_dim3A_18 = arith.constant 0.000000e+00 : f32
    %broadcast_in_dim3A_19 = vector.broadcast %broadcast_in_dim3A_18 : f32 to vector<128x64xf32>
    %get3A_20 = arith.constant 0 : index
    %get3A_21 = arith.constant 0 : index
    %get3A_22 = memref.load %arg6[%get3A_20, %get3A_21] : memref<15x3xf32, #tpu.memory_space<smem>>
    %get3A_23 = arith.constant 0 : index
    %get3A_24 = arith.constant 1 : index
    %get3A_25 = memref.load %arg6[%get3A_23, %get3A_24] : memref<15x3xf32, #tpu.memory_space<smem>>
    %get3A_26 = arith.constant 0 : index
    %get3A_27 = arith.constant 2 : index
    %get3A_28 = memref.load %arg6[%get3A_26, %get3A_27] : memref<15x3xf32, #tpu.memory_space<smem>>
    %sub3A = vector.broadcast %get3A_22 : f32 to vector<128x16xf32>
    %sub3A_29 = arith.subf %get3A_4, %sub3A : vector<128x16xf32>
    %sub3A_30 = vector.broadcast %get3A_25 : f32 to vector<128x16xf32>
    %sub3A_31 = arith.subf %get3A_7, %sub3A_30 : vector<128x16xf32>
    %sub3A_32 = vector.broadcast %get3A_28 : f32 to vector<128x16xf32>
    %sub3A_33 = arith.subf %get3A_10, %sub3A_32 : vector<128x16xf32>
    %mul3A = arith.mulf %sub3A_29, %sub3A_29 : vector<128x16xf32>
    %mul3A_34 = arith.mulf %sub3A_31, %sub3A_31 : vector<128x16xf32>
    %add3A = arith.addf %mul3A, %mul3A_34 : vector<128x16xf32>
    %mul3A_35 = arith.mulf %sub3A_33, %sub3A_33 : vector<128x16xf32>
    %add3A_36 = arith.addf %add3A, %mul3A_35 : vector<128x16xf32>
    %add3A_37 = arith.constant 9.99999996E-13 : f32
    %add3A_38 = vector.broadcast %add3A_37 : f32 to vector<128x16xf32>
    %add3A_39 = arith.addf %add3A_36, %add3A_38 : vector<128x16xf32>
    %sqrt3A = math.sqrt %add3A_39 : vector<128x16xf32>
    %mul3A_40 = arith.constant 1.000000e+01 : f32
    %mul3A_41 = vector.broadcast %mul3A_40 : f32 to vector<128x16xf32>
    %mul3A_42 = arith.mulf %sqrt3A, %mul3A_41 : vector<128x16xf32>
    %sub3A_43 = arith.constant 1.000000e+00 : f32
    %sub3A_44 = vector.broadcast %sub3A_43 : f32 to vector<128x16xf32>
    %sub3A_45 = arith.subf %sub3A_44, %mul3A_42 : vector<128x16xf32>
    %max3A = arith.constant 0.000000e+00 : f32
    %max3A_46 = vector.broadcast %max3A : f32 to vector<128x16xf32>
    %max3A_47 = arith.maximumf %max3A_46, %sub3A_45 : vector<128x16xf32>
    %mul3A_48 = arith.mulf %max3A_47, %select_n3A : vector<128x16xf32>
    %reshape3A = vector.shape_cast %get3A_1 : vector<2048x128xf32> to vector<128x16x128xf32>
    %broadcast_in_dim3A_49 = vector.shape_cast %mul3A_48 : vector<128x16xf32> to vector<128x16x1xf32>
    %mul3A_50 = vector.broadcast %broadcast_in_dim3A_49 : vector<128x16x1xf32> to vector<128x16x128xf32>
    %mul3A_51 = arith.mulf %reshape3A, %mul3A_50 : vector<128x16x128xf32>
    %slice3A = vector.extract_strided_slice %mul3A_51 {offsets = [0, 0, 0], sizes = [128, 8, 128], strides = [1, 1, 1]} : vector<128x16x128xf32> to vector<128x8x128xf32>
    %slice3A_52 = vector.extract_strided_slice %mul3A_51 {offsets = [0, 8, 0], sizes = [128, 8, 128], strides = [1, 1, 1]} : vector<128x16x128xf32> to vector<128x8x128xf32>
    %add3A_53 = arith.addf %slice3A, %slice3A_52 : vector<128x8x128xf32>
    %slice3A_54 = vector.extract_strided_slice %add3A_53 {offsets = [0, 0, 0], sizes = [128, 4, 128], strides = [1, 1, 1]} : vector<128x8x128xf32> to vector<128x4x128xf32>
    %slice3A_55 = vector.extract_strided_slice %add3A_53 {offsets = [0, 4, 0], sizes = [128, 4, 128], strides = [1, 1, 1]} : vector<128x8x128xf32> to vector<128x4x128xf32>
    %add3A_56 = arith.addf %slice3A_54, %slice3A_55 : vector<128x4x128xf32>
    %slice3A_57 = vector.extract_strided_slice %add3A_56 {offsets = [0, 0, 0], sizes = [128, 2, 128], strides = [1, 1, 1]} : vector<128x4x128xf32> to vector<128x2x128xf32>
    %slice3A_58 = vector.extract_strided_slice %add3A_56 {offsets = [0, 2, 0], sizes = [128, 2, 128], strides = [1, 1, 1]} : vector<128x4x128xf32> to vector<128x2x128xf32>
    %add3A_59 = arith.addf %slice3A_57, %slice3A_58 : vector<128x2x128xf32>
    %slice3A_60 = vector.extract_strided_slice %add3A_59 {offsets = [0, 0, 0], sizes = [128, 1, 128], strides = [1, 1, 1]} : vector<128x2x128xf32> to vector<128x1x128xf32>
    %squeeze3A = vector.shape_cast %slice3A_60 : vector<128x1x128xf32> to vector<128x128xf32>
    %slice3A_61 = vector.extract_strided_slice %add3A_59 {offsets = [0, 1, 0], sizes = [128, 1, 128], strides = [1, 1, 1]} : vector<128x2x128xf32> to vector<128x1x128xf32>
    %squeeze3A_62 = vector.shape_cast %slice3A_61 : vector<128x1x128xf32> to vector<128x128xf32>
    %add3A_63 = arith.addf %squeeze3A, %squeeze3A_62 : vector<128x128xf32>
    %slice3A_64 = vector.extract_strided_slice %add3A_63 {offsets = [0, 0], sizes = [128, 67], strides = [1, 1]} : vector<128x128xf32> to vector<128x67xf32>
    %get3A_65 = arith.constant 0 : index
    %get3A_66 = arith.constant 0 : index
    %get3A_67 = arith.constant 0 : index
    %get3A_68 = vector.load %arg7[%get3A_65, %get3A_66, %get3A_67] : memref<15x67x64xf32, #tpu.memory_space<vmem>>, vector<1x67x64xf32>
    %get3A_69 = vector.shape_cast %get3A_68 : vector<1x67x64xf32> to vector<67x64xf32>
    %dot_general3A = arith.constant dense<0.000000e+00> : vector<128x64xf32>
    %dot_general3A_70 = tpu.matmul %slice3A_64, %get3A_69, %dot_general3A {dimension_numbers = #tpu.dot_dimension_numbers<[1], [0], [0], [1], [0, 0, 1, 1], [], []>, transpose_lhs_hint = false} : vector<128x67xf32>, vector<67x64xf32>, vector<128x64xf32> -> vector<128x64xf32>
    %add3A_71 = arith.addf %broadcast_in_dim3A_19, %dot_general3A_70 : vector<128x64xf32>
    %get3A_72 = arith.constant 1 : index
    %get3A_73 = arith.constant 0 : index
    %get3A_74 = memref.load %arg6[%get3A_72, %get3A_73] : memref<15x3xf32, #tpu.memory_space<smem>>
    %get3A_75 = arith.constant 1 : index
    %get3A_76 = arith.constant 1 : index
    %get3A_77 = memref.load %arg6[%get3A_75, %get3A_76] : memref<15x3xf32, #tpu.memory_space<smem>>
    %get3A_78 = arith.constant 1 : index
    %get3A_79 = arith.constant 2 : index
    %get3A_80 = memref.load %arg6[%get3A_78, %get3A_79] : memref<15x3xf32, #tpu.memory_space<smem>>
    %sub3A_81 = vector.broadcast %get3A_74 : f32 to vector<128x16xf32>
    %sub3A_82 = arith.subf %get3A_4, %sub3A_81 : vector<128x16xf32>
    %sub3A_83 = vector.broadcast %get3A_77 : f32 to vector<128x16xf32>
    %sub3A_84 = arith.subf %get3A_7, %sub3A_83 : vector<128x16xf32>
    %sub3A_85 = vector.broadcast %get3A_80 : f32 to vector<128x16xf32>
    %sub3A_86 = arith.subf %get3A_10, %sub3A_85 : vector<128x16xf32>
    %mul3A_87 = arith.mulf %sub3A_82, %sub3A_82 : vector<128x16xf32>
    %mul3A_88 = arith.mulf %sub3A_84, %sub3A_84 : vector<128x16xf32>
    %add3A_89 = arith.addf %mul3A_87, %mul3A_88 : vector<128x16xf32>
    %mul3A_90 = arith.mulf %sub3A_86, %sub3A_86 : vector<128x16xf32>
    %add3A_91 = arith.addf %add3A_89, %mul3A_90 : vector<128x16xf32>
    %add3A_92 = arith.constant 9.99999996E-13 : f32
    %add3A_93 = vector.broadcast %add3A_92 : f32 to vector<128x16xf32>
    %add3A_94 = arith.addf %add3A_91, %add3A_93 : vector<128x16xf32>
    %sqrt3A_95 = math.sqrt %add3A_94 : vector<128x16xf32>
    %mul3A_96 = arith.constant 1.000000e+01 : f32
    %mul3A_97 = vector.broadcast %mul3A_96 : f32 to vector<128x16xf32>
    %mul3A_98 = arith.mulf %sqrt3A_95, %mul3A_97 : vector<128x16xf32>
    %sub3A_99 = arith.constant 1.000000e+00 : f32
    %sub3A_100 = vector.broadcast %sub3A_99 : f32 to vector<128x16xf32>
    %sub3A_101 = arith.subf %sub3A_100, %mul3A_98 : vector<128x16xf32>
    %max3A_102 = arith.constant 0.000000e+00 : f32
    %max3A_103 = vector.broadcast %max3A_102 : f32 to vector<128x16xf32>
    %max3A_104 = arith.maximumf %max3A_103, %sub3A_101 : vector<128x16xf32>
    %mul3A_105 = arith.mulf %max3A_104, %select_n3A : vector<128x16xf32>
    %reshape3A_106 = vector.shape_cast %get3A_1 : vector<2048x128xf32> to vector<128x16x128xf32>
    %broadcast_in_dim3A_107 = vector.shape_cast %mul3A_105 : vector<128x16xf32> to vector<128x16x1xf32>
    %mul3A_108 = vector.broadcast %broadcast_in_dim3A_107 : vector<128x16x1xf32> to vector<128x16x128xf32>
    %mul3A_109 = arith.mulf %reshape3A_106, %mul3A_108 : vector<128x16x128xf32>
    %slice3A_110 = vector.extract_strided_slice %mul3A_109 {offsets = [0, 0, 0], sizes = [128, 8, 128], strides = [1, 1, 1]} : vector<128x16x128xf32> to vector<128x8x128xf32>
    %slice3A_111 = vector.extract_strided_slice %mul3A_109 {offsets = [0, 8, 0], sizes = [128, 8, 128], strides = [1, 1, 1]} : vector<128x16x128xf32> to vector<128x8x128xf32>
    %add3A_112 = arith.addf %slice3A_110, %slice3A_111 : vector<128x8x128xf32>
    %slice3A_113 = vector.extract_strided_slice %add3A_112 {offsets = [0, 0, 0], sizes = [128, 4, 128], strides = [1, 1, 1]} : vector<128x8x128xf32> to vector<128x4x128xf32>
    %slice3A_114 = vector.extract_strided_slice %add3A_112 {offsets = [0, 4, 0], sizes = [128, 4, 128], strides = [1, 1, 1]} : vector<128x8x128xf32> to vector<128x4x128xf32>
    %add3A_115 = arith.addf %slice3A_113, %slice3A_114 : vector<128x4x128xf32>
    %slice3A_116 = vector.extract_strided_slice %add3A_115 {offsets = [0, 0, 0], sizes = [128, 2, 128], strides = [1, 1, 1]} : vector<128x4x128xf32> to vector<128x2x128xf32>
    %slice3A_117 = vector.extract_strided_slice %add3A_115 {offsets = [0, 2, 0], sizes = [128, 2, 128], strides = [1, 1, 1]} : vector<128x4x128xf32> to vector<128x2x128xf32>
    %add3A_118 = arith.addf %slice3A_116, %slice3A_117 : vector<128x2x128xf32>
    %slice3A_119 = vector.extract_strided_slice %add3A_118 {offsets = [0, 0, 0], sizes = [128, 1, 128], strides = [1, 1, 1]} : vector<128x2x128xf32> to vector<128x1x128xf32>
    %squeeze3A_120 = vector.shape_cast %slice3A_119 : vector<128x1x128xf32> to vector<128x128xf32>
    %slice3A_121 = vector.extract_strided_slice %add3A_118 {offsets = [0, 1, 0], sizes = [128, 1, 128], strides = [1, 1, 1]} : vector<128x2x128xf32> to vector<128x1x128xf32>
    %squeeze3A_122 = vector.shape_cast %slice3A_121 : vector<128x1x128xf32> to vector<128x128xf32>
    %add3A_123 = arith.addf %squeeze3A_120, %squeeze3A_122 : vector<128x128xf32>
    %slice3A_124 = vector.extract_strided_slice %add3A_123 {offsets = [0, 0], sizes = [128, 67], strides = [1, 1]} : vector<128x128xf32> to vector<128x67xf32>
    %get3A_125 = arith.constant 1 : index
    %get3A_126 = arith.constant 0 : index
    %get3A_127 = arith.constant 0 : index
    %get3A_128 = vector.load %arg7[%get3A_125, %get3A_126, %get3A_127] : memref<15x67x64xf32, #tpu.memory_space<vmem>>, vector<1x67x64xf32>
    %get3A_129 = vector.shape_cast %get3A_128 : vector<1x67x64xf32> to vector<67x64xf32>
    %dot_general3A_130 = arith.constant dense<0.000000e+00> : vector<128x64xf32>
    %dot_general3A_131 = tpu.matmul %slice3A_124, %get3A_129, %dot_general3A_130 {dimension_numbers = #tpu.dot_dimension_numbers<[1], [0], [0], [1], [0, 0, 1, 1], [], []>, transpose_lhs_hint = false} : vector<128x67xf32>, vector<67x64xf32>, vector<128x64xf32> -> vector<128x64xf32>
    %add3A_132 = arith.addf %add3A_71, %dot_general3A_131 : vector<128x64xf32>
    %get3A_133 = arith.constant 2 : index
    %get3A_134 = arith.constant 0 : index
    %get3A_135 = memref.load %arg6[%get3A_133, %get3A_134] : memref<15x3xf32, #tpu.memory_space<smem>>
    %get3A_136 = arith.constant 2 : index
    %get3A_137 = arith.constant 1 : index
    %get3A_138 = memref.load %arg6[%get3A_136, %get3A_137] : memref<15x3xf32, #tpu.memory_space<smem>>
    %get3A_139 = arith.constant 2 : index
    %get3A_140 = arith.constant 2 : index
    %get3A_141 = memref.load %arg6[%get3A_139, %get3A_140] : memref<15x3xf32, #tpu.memory_space<smem>>
    %sub3A_142 = vector.broadcast %get3A_135 : f32 to vector<128x16xf32>
    %sub3A_143 = arith.subf %get3A_4, %sub3A_142 : vector<128x16xf32>
    %sub3A_144 = vector.broadcast %get3A_138 : f32 to vector<128x16xf32>
    %sub3A_145 = arith.subf %get3A_7, %sub3A_144 : vector<128x16xf32>
    %sub3A_146 = vector.broadcast %get3A_141 : f32 to vector<128x16xf32>
    %sub3A_147 = arith.subf %get3A_10, %sub3A_146 : vector<128x16xf32>
    %mul3A_148 = arith.mulf %sub3A_143, %sub3A_143 : vector<128x16xf32>
    %mul3A_149 = arith.mulf %sub3A_145, %sub3A_145 : vector<128x16xf32>
    %add3A_150 = arith.addf %mul3A_148, %mul3A_149 : vector<128x16xf32>
    %mul3A_151 = arith.mulf %sub3A_147, %sub3A_147 : vector<128x16xf32>
    %add3A_152 = arith.addf %add3A_150, %mul3A_151 : vector<128x16xf32>
    %add3A_153 = arith.constant 9.99999996E-13 : f32
    %add3A_154 = vector.broadcast %add3A_153 : f32 to vector<128x16xf32>
    %add3A_155 = arith.addf %add3A_152, %add3A_154 : vector<128x16xf32>
    %sqrt3A_156 = math.sqrt %add3A_155 : vector<128x16xf32>
    %mul3A_157 = arith.constant 1.000000e+01 : f32
    %mul3A_158 = vector.broadcast %mul3A_157 : f32 to vector<128x16xf32>
    %mul3A_159 = arith.mulf %sqrt3A_156, %mul3A_158 : vector<128x16xf32>
    %sub3A_160 = arith.constant 1.000000e+00 : f32
    %sub3A_161 = vector.broadcast %sub3A_160 : f32 to vector<128x16xf32>
    %sub3A_162 = arith.subf %sub3A_161, %mul3A_159 : vector<128x16xf32>
    %max3A_163 = arith.constant 0.000000e+00 : f32
    %max3A_164 = vector.broadcast %max3A_163 : f32 to vector<128x16xf32>
    %max3A_165 = arith.maximumf %max3A_164, %sub3A_162 : vector<128x16xf32>
    %mul3A_166 = arith.mulf %max3A_165, %select_n3A : vector<128x16xf32>
    %reshape3A_167 = vector.shape_cast %get3A_1 : vector<2048x128xf32> to vector<128x16x128xf32>
    %broadcast_in_dim3A_168 = vector.shape_cast %mul3A_166 : vector<128x16xf32> to vector<128x16x1xf32>
    %mul3A_169 = vector.broadcast %broadcast_in_dim3A_168 : vector<128x16x1xf32> to vector<128x16x128xf32>
    %mul3A_170 = arith.mulf %reshape3A_167, %mul3A_169 : vector<128x16x128xf32>
    %slice3A_171 = vector.extract_strided_slice %mul3A_170 {offsets = [0, 0, 0], sizes = [128, 8, 128], strides = [1, 1, 1]} : vector<128x16x128xf32> to vector<128x8x128xf32>
    %slice3A_172 = vector.extract_strided_slice %mul3A_170 {offsets = [0, 8, 0], sizes = [128, 8, 128], strides = [1, 1, 1]} : vector<128x16x128xf32> to vector<128x8x128xf32>
    %add3A_173 = arith.addf %slice3A_171, %slice3A_172 : vector<128x8x128xf32>
    %slice3A_174 = vector.extract_strided_slice %add3A_173 {offsets = [0, 0, 0], sizes = [128, 4, 128], strides = [1, 1, 1]} : vector<128x8x128xf32> to vector<128x4x128xf32>
    %slice3A_175 = vector.extract_strided_slice %add3A_173 {offsets = [0, 4, 0], sizes = [128, 4, 128], strides = [1, 1, 1]} : vector<128x8x128xf32> to vector<128x4x128xf32>
    %add3A_176 = arith.addf %slice3A_174, %slice3A_175 : vector<128x4x128xf32>
    %slice3A_177 = vector.extract_strided_slice %add3A_176 {offsets = [0, 0, 0], sizes = [128, 2, 128], strides = [1, 1, 1]} : vector<128x4x128xf32> to vector<128x2x128xf32>
    %slice3A_178 = vector.extract_strided_slice %add3A_176 {offsets = [0, 2, 0], sizes = [128, 2, 128], strides = [1, 1, 1]} : vector<128x4x128xf32> to vector<128x2x128xf32>
    %add3A_179 = arith.addf %slice3A_177, %slice3A_178 : vector<128x2x128xf32>
    %slice3A_180 = vector.extract_strided_slice %add3A_179 {offsets = [0, 0, 0], sizes = [128, 1, 128], strides = [1, 1, 1]} : vector<128x2x128xf32> to vector<128x1x128xf32>
    %squeeze3A_181 = vector.shape_cast %slice3A_180 : vector<128x1x128xf32> to vector<128x128xf32>
    %slice3A_182 = vector.extract_strided_slice %add3A_179 {offsets = [0, 1, 0], sizes = [128, 1, 128], strides = [1, 1, 1]} : vector<128x2x128xf32> to vector<128x1x128xf32>
    %squeeze3A_183 = vector.shape_cast %slice3A_182 : vector<128x1x128xf32> to vector<128x128xf32>
    %add3A_184 = arith.addf %squeeze3A_181, %squeeze3A_183 : vector<128x128xf32>
    %slice3A_185 = vector.extract_strided_slice %add3A_184 {offsets = [0, 0], sizes = [128, 67], strides = [1, 1]} : vector<128x128xf32> to vector<128x67xf32>
    %get3A_186 = arith.constant 2 : index
    %get3A_187 = arith.constant 0 : index
    %get3A_188 = arith.constant 0 : index
    %get3A_189 = vector.load %arg7[%get3A_186, %get3A_187, %get3A_188] : memref<15x67x64xf32, #tpu.memory_space<vmem>>, vector<1x67x64xf32>
    %get3A_190 = vector.shape_cast %get3A_189 : vector<1x67x64xf32> to vector<67x64xf32>
    %dot_general3A_191 = arith.constant dense<0.000000e+00> : vector<128x64xf32>
    %dot_general3A_192 = tpu.matmul %slice3A_185, %get3A_190, %dot_general3A_191 {dimension_numbers = #tpu.dot_dimension_numbers<[1], [0], [0], [1], [0, 0, 1, 1], [], []>, transpose_lhs_hint = false} : vector<128x67xf32>, vector<67x64xf32>, vector<128x64xf32> -> vector<128x64xf32>
    %add3A_193 = arith.addf %add3A_132, %dot_general3A_192 : vector<128x64xf32>
    %get3A_194 = arith.constant 3 : index
    %get3A_195 = arith.constant 0 : index
    %get3A_196 = memref.load %arg6[%get3A_194, %get3A_195] : memref<15x3xf32, #tpu.memory_space<smem>>
    %get3A_197 = arith.constant 3 : index
    %get3A_198 = arith.constant 1 : index
    %get3A_199 = memref.load %arg6[%get3A_197, %get3A_198] : memref<15x3xf32, #tpu.memory_space<smem>>
    %get3A_200 = arith.constant 3 : index
    %get3A_201 = arith.constant 2 : index
    %get3A_202 = memref.load %arg6[%get3A_200, %get3A_201] : memref<15x3xf32, #tpu.memory_space<smem>>
    %sub3A_203 = vector.broadcast %get3A_196 : f32 to vector<128x16xf32>
    %sub3A_204 = arith.subf %get3A_4, %sub3A_203 : vector<128x16xf32>
    %sub3A_205 = vector.broadcast %get3A_199 : f32 to vector<128x16xf32>
    %sub3A_206 = arith.subf %get3A_7, %sub3A_205 : vector<128x16xf32>
    %sub3A_207 = vector.broadcast %get3A_202 : f32 to vector<128x16xf32>
    %sub3A_208 = arith.subf %get3A_10, %sub3A_207 : vector<128x16xf32>
    %mul3A_209 = arith.mulf %sub3A_204, %sub3A_204 : vector<128x16xf32>
    %mul3A_210 = arith.mulf %sub3A_206, %sub3A_206 : vector<128x16xf32>
    %add3A_211 = arith.addf %mul3A_209, %mul3A_210 : vector<128x16xf32>
    %mul3A_212 = arith.mulf %sub3A_208, %sub3A_208 : vector<128x16xf32>
    %add3A_213 = arith.addf %add3A_211, %mul3A_212 : vector<128x16xf32>
    %add3A_214 = arith.constant 9.99999996E-13 : f32
    %add3A_215 = vector.broadcast %add3A_214 : f32 to vector<128x16xf32>
    %add3A_216 = arith.addf %add3A_213, %add3A_215 : vector<128x16xf32>
    %sqrt3A_217 = math.sqrt %add3A_216 : vector<128x16xf32>
    %mul3A_218 = arith.constant 1.000000e+01 : f32
    %mul3A_219 = vector.broadcast %mul3A_218 : f32 to vector<128x16xf32>
    %mul3A_220 = arith.mulf %sqrt3A_217, %mul3A_219 : vector<128x16xf32>
    %sub3A_221 = arith.constant 1.000000e+00 : f32
    %sub3A_222 = vector.broadcast %sub3A_221 : f32 to vector<128x16xf32>
    %sub3A_223 = arith.subf %sub3A_222, %mul3A_220 : vector<128x16xf32>
    %max3A_224 = arith.constant 0.000000e+00 : f32
    %max3A_225 = vector.broadcast %max3A_224 : f32 to vector<128x16xf32>
    %max3A_226 = arith.maximumf %max3A_225, %sub3A_223 : vector<128x16xf32>
    %mul3A_227 = arith.mulf %max3A_226, %select_n3A : vector<128x16xf32>
    %reshape3A_228 = vector.shape_cast %get3A_1 : vector<2048x128xf32> to vector<128x16x128xf32>
    %broadcast_in_dim3A_229 = vector.shape_cast %mul3A_227 : vector<128x16xf32> to vector<128x16x1xf32>
    %mul3A_230 = vector.broadcast %broadcast_in_dim3A_229 : vector<128x16x1xf32> to vector<128x16x128xf32>
    %mul3A_231 = arith.mulf %reshape3A_228, %mul3A_230 : vector<128x16x128xf32>
    %slice3A_232 = vector.extract_strided_slice %mul3A_231 {offsets = [0, 0, 0], sizes = [128, 8, 128], strides = [1, 1, 1]} : vector<128x16x128xf32> to vector<128x8x128xf32>
    %slice3A_233 = vector.extract_strided_slice %mul3A_231 {offsets = [0, 8, 0], sizes = [128, 8, 128], strides = [1, 1, 1]} : vector<128x16x128xf32> to vector<128x8x128xf32>
    %add3A_234 = arith.addf %slice3A_232, %slice3A_233 : vector<128x8x128xf32>
    %slice3A_235 = vector.extract_strided_slice %add3A_234 {offsets = [0, 0, 0], sizes = [128, 4, 128], strides = [1, 1, 1]} : vector<128x8x128xf32> to vector<128x4x128xf32>
    %slice3A_236 = vector.extract_strided_slice %add3A_234 {offsets = [0, 4, 0], sizes = [128, 4, 128], strides = [1, 1, 1]} : vector<128x8x128xf32> to vector<128x4x128xf32>
    %add3A_237 = arith.addf %slice3A_235, %slice3A_236 : vector<128x4x128xf32>
    %slice3A_238 = vector.extract_strided_slice %add3A_237 {offsets = [0, 0, 0], sizes = [128, 2, 128], strides = [1, 1, 1]} : vector<128x4x128xf32> to vector<128x2x128xf32>
    %slice3A_239 = vector.extract_strided_slice %add3A_237 {offsets = [0, 2, 0], sizes = [128, 2, 128], strides = [1, 1, 1]} : vector<128x4x128xf32> to vector<128x2x128xf32>
    %add3A_240 = arith.addf %slice3A_238, %slice3A_239 : vector<128x2x128xf32>
    %slice3A_241 = vector.extract_strided_slice %add3A_240 {offsets = [0, 0, 0], sizes = [128, 1, 128], strides = [1, 1, 1]} : vector<128x2x128xf32> to vector<128x1x128xf32>
    %squeeze3A_242 = vector.shape_cast %slice3A_241 : vector<128x1x128xf32> to vector<128x128xf32>
    %slice3A_243 = vector.extract_strided_slice %add3A_240 {offsets = [0, 1, 0], sizes = [128, 1, 128], strides = [1, 1, 1]} : vector<128x2x128xf32> to vector<128x1x128xf32>
    %squeeze3A_244 = vector.shape_cast %slice3A_243 : vector<128x1x128xf32> to vector<128x128xf32>
    %add3A_245 = arith.addf %squeeze3A_242, %squeeze3A_244 : vector<128x128xf32>
    %slice3A_246 = vector.extract_strided_slice %add3A_245 {offsets = [0, 0], sizes = [128, 67], strides = [1, 1]} : vector<128x128xf32> to vector<128x67xf32>
    %get3A_247 = arith.constant 3 : index
    %get3A_248 = arith.constant 0 : index
    %get3A_249 = arith.constant 0 : index
    %get3A_250 = vector.load %arg7[%get3A_247, %get3A_248, %get3A_249] : memref<15x67x64xf32, #tpu.memory_space<vmem>>, vector<1x67x64xf32>
    %get3A_251 = vector.shape_cast %get3A_250 : vector<1x67x64xf32> to vector<67x64xf32>
    %dot_general3A_252 = arith.constant dense<0.000000e+00> : vector<128x64xf32>
    %dot_general3A_253 = tpu.matmul %slice3A_246, %get3A_251, %dot_general3A_252 {dimension_numbers = #tpu.dot_dimension_numbers<[1], [0], [0], [1], [0, 0, 1, 1], [], []>, transpose_lhs_hint = false} : vector<128x67xf32>, vector<67x64xf32>, vector<128x64xf32> -> vector<128x64xf32>
    %add3A_254 = arith.addf %add3A_193, %dot_general3A_253 : vector<128x64xf32>
    %get3A_255 = arith.constant 4 : index
    %get3A_256 = arith.constant 0 : index
    %get3A_257 = memref.load %arg6[%get3A_255, %get3A_256] : memref<15x3xf32, #tpu.memory_space<smem>>
    %get3A_258 = arith.constant 4 : index
    %get3A_259 = arith.constant 1 : index
    %get3A_260 = memref.load %arg6[%get3A_258, %get3A_259] : memref<15x3xf32, #tpu.memory_space<smem>>
    %get3A_261 = arith.constant 4 : index
    %get3A_262 = arith.constant 2 : index
    %get3A_263 = memref.load %arg6[%get3A_261, %get3A_262] : memref<15x3xf32, #tpu.memory_space<smem>>
    %sub3A_264 = vector.broadcast %get3A_257 : f32 to vector<128x16xf32>
    %sub3A_265 = arith.subf %get3A_4, %sub3A_264 : vector<128x16xf32>
    %sub3A_266 = vector.broadcast %get3A_260 : f32 to vector<128x16xf32>
    %sub3A_267 = arith.subf %get3A_7, %sub3A_266 : vector<128x16xf32>
    %sub3A_268 = vector.broadcast %get3A_263 : f32 to vector<128x16xf32>
    %sub3A_269 = arith.subf %get3A_10, %sub3A_268 : vector<128x16xf32>
    %mul3A_270 = arith.mulf %sub3A_265, %sub3A_265 : vector<128x16xf32>
    %mul3A_271 = arith.mulf %sub3A_267, %sub3A_267 : vector<128x16xf32>
    %add3A_272 = arith.addf %mul3A_270, %mul3A_271 : vector<128x16xf32>
    %mul3A_273 = arith.mulf %sub3A_269, %sub3A_269 : vector<128x16xf32>
    %add3A_274 = arith.addf %add3A_272, %mul3A_273 : vector<128x16xf32>
    %add3A_275 = arith.constant 9.99999996E-13 : f32
    %add3A_276 = vector.broadcast %add3A_275 : f32 to vector<128x16xf32>
    %add3A_277 = arith.addf %add3A_274, %add3A_276 : vector<128x16xf32>
    %sqrt3A_278 = math.sqrt %add3A_277 : vector<128x16xf32>
    %mul3A_279 = arith.constant 1.000000e+01 : f32
    %mul3A_280 = vector.broadcast %mul3A_279 : f32 to vector<128x16xf32>
    %mul3A_281 = arith.mulf %sqrt3A_278, %mul3A_280 : vector<128x16xf32>
    %sub3A_282 = arith.constant 1.000000e+00 : f32
    %sub3A_283 = vector.broadcast %sub3A_282 : f32 to vector<128x16xf32>
    %sub3A_284 = arith.subf %sub3A_283, %mul3A_281 : vector<128x16xf32>
    %max3A_285 = arith.constant 0.000000e+00 : f32
    %max3A_286 = vector.broadcast %max3A_285 : f32 to vector<128x16xf32>
    %max3A_287 = arith.maximumf %max3A_286, %sub3A_284 : vector<128x16xf32>
    %mul3A_288 = arith.mulf %max3A_287, %select_n3A : vector<128x16xf32>
    %reshape3A_289 = vector.shape_cast %get3A_1 : vector<2048x128xf32> to vector<128x16x128xf32>
    %broadcast_in_dim3A_290 = vector.shape_cast %mul3A_288 : vector<128x16xf32> to vector<128x16x1xf32>
    %mul3A_291 = vector.broadcast %broadcast_in_dim3A_290 : vector<128x16x1xf32> to vector<128x16x128xf32>
    %mul3A_292 = arith.mulf %reshape3A_289, %mul3A_291 : vector<128x16x128xf32>
    %slice3A_293 = vector.extract_strided_slice %mul3A_292 {offsets = [0, 0, 0], sizes = [128, 8, 128], strides = [1, 1, 1]} : vector<128x16x128xf32> to vector<128x8x128xf32>
    %slice3A_294 = vector.extract_strided_slice %mul3A_292 {offsets = [0, 8, 0], sizes = [128, 8, 128], strides = [1, 1, 1]} : vector<128x16x128xf32> to vector<128x8x128xf32>
    %add3A_295 = arith.addf %slice3A_293, %slice3A_294 : vector<128x8x128xf32>
    %slice3A_296 = vector.extract_strided_slice %add3A_295 {offsets = [0, 0, 0], sizes = [128, 4, 128], strides = [1, 1, 1]} : vector<128x8x128xf32> to vector<128x4x128xf32>
    %slice3A_297 = vector.extract_strided_slice %add3A_295 {offsets = [0, 4, 0], sizes = [128, 4, 128], strides = [1, 1, 1]} : vector<128x8x128xf32> to vector<128x4x128xf32>
    %add3A_298 = arith.addf %slice3A_296, %slice3A_297 : vector<128x4x128xf32>
    %slice3A_299 = vector.extract_strided_slice %add3A_298 {offsets = [0, 0, 0], sizes = [128, 2, 128], strides = [1, 1, 1]} : vector<128x4x128xf32> to vector<128x2x128xf32>
    %slice3A_300 = vector.extract_strided_slice %add3A_298 {offsets = [0, 2, 0], sizes = [128, 2, 128], strides = [1, 1, 1]} : vector<128x4x128xf32> to vector<128x2x128xf32>
    %add3A_301 = arith.addf %slice3A_299, %slice3A_300 : vector<128x2x128xf32>
    %slice3A_302 = vector.extract_strided_slice %add3A_301 {offsets = [0, 0, 0], sizes = [128, 1, 128], strides = [1, 1, 1]} : vector<128x2x128xf32> to vector<128x1x128xf32>
    %squeeze3A_303 = vector.shape_cast %slice3A_302 : vector<128x1x128xf32> to vector<128x128xf32>
    %slice3A_304 = vector.extract_strided_slice %add3A_301 {offsets = [0, 1, 0], sizes = [128, 1, 128], strides = [1, 1, 1]} : vector<128x2x128xf32> to vector<128x1x128xf32>
    %squeeze3A_305 = vector.shape_cast %slice3A_304 : vector<128x1x128xf32> to vector<128x128xf32>
    %add3A_306 = arith.addf %squeeze3A_303, %squeeze3A_305 : vector<128x128xf32>
    %slice3A_307 = vector.extract_strided_slice %add3A_306 {offsets = [0, 0], sizes = [128, 67], strides = [1, 1]} : vector<128x128xf32> to vector<128x67xf32>
    %get3A_308 = arith.constant 4 : index
    %get3A_309 = arith.constant 0 : index
    %get3A_310 = arith.constant 0 : index
    %get3A_311 = vector.load %arg7[%get3A_308, %get3A_309, %get3A_310] : memref<15x67x64xf32, #tpu.memory_space<vmem>>, vector<1x67x64xf32>
    %get3A_312 = vector.shape_cast %get3A_311 : vector<1x67x64xf32> to vector<67x64xf32>
    %dot_general3A_313 = arith.constant dense<0.000000e+00> : vector<128x64xf32>
    %dot_general3A_314 = tpu.matmul %slice3A_307, %get3A_312, %dot_general3A_313 {dimension_numbers = #tpu.dot_dimension_numbers<[1], [0], [0], [1], [0, 0, 1, 1], [], []>, transpose_lhs_hint = false} : vector<128x67xf32>, vector<67x64xf32>, vector<128x64xf32> -> vector<128x64xf32>
    %add3A_315 = arith.addf %add3A_254, %dot_general3A_314 : vector<128x64xf32>
    %get3A_316 = arith.constant 5 : index
    %get3A_317 = arith.constant 0 : index
    %get3A_318 = memref.load %arg6[%get3A_316, %get3A_317] : memref<15x3xf32, #tpu.memory_space<smem>>
    %get3A_319 = arith.constant 5 : index
    %get3A_320 = arith.constant 1 : index
    %get3A_321 = memref.load %arg6[%get3A_319, %get3A_320] : memref<15x3xf32, #tpu.memory_space<smem>>
    %get3A_322 = arith.constant 5 : index
    %get3A_323 = arith.constant 2 : index
    %get3A_324 = memref.load %arg6[%get3A_322, %get3A_323] : memref<15x3xf32, #tpu.memory_space<smem>>
    %sub3A_325 = vector.broadcast %get3A_318 : f32 to vector<128x16xf32>
    %sub3A_326 = arith.subf %get3A_4, %sub3A_325 : vector<128x16xf32>
    %sub3A_327 = vector.broadcast %get3A_321 : f32 to vector<128x16xf32>
    %sub3A_328 = arith.subf %get3A_7, %sub3A_327 : vector<128x16xf32>
    %sub3A_329 = vector.broadcast %get3A_324 : f32 to vector<128x16xf32>
    %sub3A_330 = arith.subf %get3A_10, %sub3A_329 : vector<128x16xf32>
    %mul3A_331 = arith.mulf %sub3A_326, %sub3A_326 : vector<128x16xf32>
    %mul3A_332 = arith.mulf %sub3A_328, %sub3A_328 : vector<128x16xf32>
    %add3A_333 = arith.addf %mul3A_331, %mul3A_332 : vector<128x16xf32>
    %mul3A_334 = arith.mulf %sub3A_330, %sub3A_330 : vector<128x16xf32>
    %add3A_335 = arith.addf %add3A_333, %mul3A_334 : vector<128x16xf32>
    %add3A_336 = arith.constant 9.99999996E-13 : f32
    %add3A_337 = vector.broadcast %add3A_336 : f32 to vector<128x16xf32>
    %add3A_338 = arith.addf %add3A_335, %add3A_337 : vector<128x16xf32>
    %sqrt3A_339 = math.sqrt %add3A_338 : vector<128x16xf32>
    %mul3A_340 = arith.constant 1.000000e+01 : f32
    %mul3A_341 = vector.broadcast %mul3A_340 : f32 to vector<128x16xf32>
    %mul3A_342 = arith.mulf %sqrt3A_339, %mul3A_341 : vector<128x16xf32>
    %sub3A_343 = arith.constant 1.000000e+00 : f32
    %sub3A_344 = vector.broadcast %sub3A_343 : f32 to vector<128x16xf32>
    %sub3A_345 = arith.subf %sub3A_344, %mul3A_342 : vector<128x16xf32>
    %max3A_346 = arith.constant 0.000000e+00 : f32
    %max3A_347 = vector.broadcast %max3A_346 : f32 to vector<128x16xf32>
    %max3A_348 = arith.maximumf %max3A_347, %sub3A_345 : vector<128x16xf32>
    %mul3A_349 = arith.mulf %max3A_348, %select_n3A : vector<128x16xf32>
    %reshape3A_350 = vector.shape_cast %get3A_1 : vector<2048x128xf32> to vector<128x16x128xf32>
    %broadcast_in_dim3A_351 = vector.shape_cast %mul3A_349 : vector<128x16xf32> to vector<128x16x1xf32>
    %mul3A_352 = vector.broadcast %broadcast_in_dim3A_351 : vector<128x16x1xf32> to vector<128x16x128xf32>
    %mul3A_353 = arith.mulf %reshape3A_350, %mul3A_352 : vector<128x16x128xf32>
    %slice3A_354 = vector.extract_strided_slice %mul3A_353 {offsets = [0, 0, 0], sizes = [128, 8, 128], strides = [1, 1, 1]} : vector<128x16x128xf32> to vector<128x8x128xf32>
    %slice3A_355 = vector.extract_strided_slice %mul3A_353 {offsets = [0, 8, 0], sizes = [128, 8, 128], strides = [1, 1, 1]} : vector<128x16x128xf32> to vector<128x8x128xf32>
    %add3A_356 = arith.addf %slice3A_354, %slice3A_355 : vector<128x8x128xf32>
    %slice3A_357 = vector.extract_strided_slice %add3A_356 {offsets = [0, 0, 0], sizes = [128, 4, 128], strides = [1, 1, 1]} : vector<128x8x128xf32> to vector<128x4x128xf32>
    %slice3A_358 = vector.extract_strided_slice %add3A_356 {offsets = [0, 4, 0], sizes = [128, 4, 128], strides = [1, 1, 1]} : vector<128x8x128xf32> to vector<128x4x128xf32>
    %add3A_359 = arith.addf %slice3A_357, %slice3A_358 : vector<128x4x128xf32>
    %slice3A_360 = vector.extract_strided_slice %add3A_359 {offsets = [0, 0, 0], sizes = [128, 2, 128], strides = [1, 1, 1]} : vector<128x4x128xf32> to vector<128x2x128xf32>
    %slice3A_361 = vector.extract_strided_slice %add3A_359 {offsets = [0, 2, 0], sizes = [128, 2, 128], strides = [1, 1, 1]} : vector<128x4x128xf32> to vector<128x2x128xf32>
    %add3A_362 = arith.addf %slice3A_360, %slice3A_361 : vector<128x2x128xf32>
    %slice3A_363 = vector.extract_strided_slice %add3A_362 {offsets = [0, 0, 0], sizes = [128, 1, 128], strides = [1, 1, 1]} : vector<128x2x128xf32> to vector<128x1x128xf32>
    %squeeze3A_364 = vector.shape_cast %slice3A_363 : vector<128x1x128xf32> to vector<128x128xf32>
    %slice3A_365 = vector.extract_strided_slice %add3A_362 {offsets = [0, 1, 0], sizes = [128, 1, 128], strides = [1, 1, 1]} : vector<128x2x128xf32> to vector<128x1x128xf32>
    %squeeze3A_366 = vector.shape_cast %slice3A_365 : vector<128x1x128xf32> to vector<128x128xf32>
    %add3A_367 = arith.addf %squeeze3A_364, %squeeze3A_366 : vector<128x128xf32>
    %slice3A_368 = vector.extract_strided_slice %add3A_367 {offsets = [0, 0], sizes = [128, 67], strides = [1, 1]} : vector<128x128xf32> to vector<128x67xf32>
    %get3A_369 = arith.constant 5 : index
    %get3A_370 = arith.constant 0 : index
    %get3A_371 = arith.constant 0 : index
    %get3A_372 = vector.load %arg7[%get3A_369, %get3A_370, %get3A_371] : memref<15x67x64xf32, #tpu.memory_space<vmem>>, vector<1x67x64xf32>
    %get3A_373 = vector.shape_cast %get3A_372 : vector<1x67x64xf32> to vector<67x64xf32>
    %dot_general3A_374 = arith.constant dense<0.000000e+00> : vector<128x64xf32>
    %dot_general3A_375 = tpu.matmul %slice3A_368, %get3A_373, %dot_general3A_374 {dimension_numbers = #tpu.dot_dimension_numbers<[1], [0], [0], [1], [0, 0, 1, 1], [], []>, transpose_lhs_hint = false} : vector<128x67xf32>, vector<67x64xf32>, vector<128x64xf32> -> vector<128x64xf32>
    %add3A_376 = arith.addf %add3A_315, %dot_general3A_375 : vector<128x64xf32>
    %get3A_377 = arith.constant 6 : index
    %get3A_378 = arith.constant 0 : index
    %get3A_379 = memref.load %arg6[%get3A_377, %get3A_378] : memref<15x3xf32, #tpu.memory_space<smem>>
    %get3A_380 = arith.constant 6 : index
    %get3A_381 = arith.constant 1 : index
    %get3A_382 = memref.load %arg6[%get3A_380, %get3A_381] : memref<15x3xf32, #tpu.memory_space<smem>>
    %get3A_383 = arith.constant 6 : index
    %get3A_384 = arith.constant 2 : index
    %get3A_385 = memref.load %arg6[%get3A_383, %get3A_384] : memref<15x3xf32, #tpu.memory_space<smem>>
    %sub3A_386 = vector.broadcast %get3A_379 : f32 to vector<128x16xf32>
    %sub3A_387 = arith.subf %get3A_4, %sub3A_386 : vector<128x16xf32>
    %sub3A_388 = vector.broadcast %get3A_382 : f32 to vector<128x16xf32>
    %sub3A_389 = arith.subf %get3A_7, %sub3A_388 : vector<128x16xf32>
    %sub3A_390 = vector.broadcast %get3A_385 : f32 to vector<128x16xf32>
    %sub3A_391 = arith.subf %get3A_10, %sub3A_390 : vector<128x16xf32>
    %mul3A_392 = arith.mulf %sub3A_387, %sub3A_387 : vector<128x16xf32>
    %mul3A_393 = arith.mulf %sub3A_389, %sub3A_389 : vector<128x16xf32>
    %add3A_394 = arith.addf %mul3A_392, %mul3A_393 : vector<128x16xf32>
    %mul3A_395 = arith.mulf %sub3A_391, %sub3A_391 : vector<128x16xf32>
    %add3A_396 = arith.addf %add3A_394, %mul3A_395 : vector<128x16xf32>
    %add3A_397 = arith.constant 9.99999996E-13 : f32
    %add3A_398 = vector.broadcast %add3A_397 : f32 to vector<128x16xf32>
    %add3A_399 = arith.addf %add3A_396, %add3A_398 : vector<128x16xf32>
    %sqrt3A_400 = math.sqrt %add3A_399 : vector<128x16xf32>
    %mul3A_401 = arith.constant 1.000000e+01 : f32
    %mul3A_402 = vector.broadcast %mul3A_401 : f32 to vector<128x16xf32>
    %mul3A_403 = arith.mulf %sqrt3A_400, %mul3A_402 : vector<128x16xf32>
    %sub3A_404 = arith.constant 1.000000e+00 : f32
    %sub3A_405 = vector.broadcast %sub3A_404 : f32 to vector<128x16xf32>
    %sub3A_406 = arith.subf %sub3A_405, %mul3A_403 : vector<128x16xf32>
    %max3A_407 = arith.constant 0.000000e+00 : f32
    %max3A_408 = vector.broadcast %max3A_407 : f32 to vector<128x16xf32>
    %max3A_409 = arith.maximumf %max3A_408, %sub3A_406 : vector<128x16xf32>
    %mul3A_410 = arith.mulf %max3A_409, %select_n3A : vector<128x16xf32>
    %reshape3A_411 = vector.shape_cast %get3A_1 : vector<2048x128xf32> to vector<128x16x128xf32>
    %broadcast_in_dim3A_412 = vector.shape_cast %mul3A_410 : vector<128x16xf32> to vector<128x16x1xf32>
    %mul3A_413 = vector.broadcast %broadcast_in_dim3A_412 : vector<128x16x1xf32> to vector<128x16x128xf32>
    %mul3A_414 = arith.mulf %reshape3A_411, %mul3A_413 : vector<128x16x128xf32>
    %slice3A_415 = vector.extract_strided_slice %mul3A_414 {offsets = [0, 0, 0], sizes = [128, 8, 128], strides = [1, 1, 1]} : vector<128x16x128xf32> to vector<128x8x128xf32>
    %slice3A_416 = vector.extract_strided_slice %mul3A_414 {offsets = [0, 8, 0], sizes = [128, 8, 128], strides = [1, 1, 1]} : vector<128x16x128xf32> to vector<128x8x128xf32>
    %add3A_417 = arith.addf %slice3A_415, %slice3A_416 : vector<128x8x128xf32>
    %slice3A_418 = vector.extract_strided_slice %add3A_417 {offsets = [0, 0, 0], sizes = [128, 4, 128], strides = [1, 1, 1]} : vector<128x8x128xf32> to vector<128x4x128xf32>
    %slice3A_419 = vector.extract_strided_slice %add3A_417 {offsets = [0, 4, 0], sizes = [128, 4, 128], strides = [1, 1, 1]} : vector<128x8x128xf32> to vector<128x4x128xf32>
    %add3A_420 = arith.addf %slice3A_418, %slice3A_419 : vector<128x4x128xf32>
    %slice3A_421 = vector.extract_strided_slice %add3A_420 {offsets = [0, 0, 0], sizes = [128, 2, 128], strides = [1, 1, 1]} : vector<128x4x128xf32> to vector<128x2x128xf32>
    %slice3A_422 = vector.extract_strided_slice %add3A_420 {offsets = [0, 2, 0], sizes = [128, 2, 128], strides = [1, 1, 1]} : vector<128x4x128xf32> to vector<128x2x128xf32>
    %add3A_423 = arith.addf %slice3A_421, %slice3A_422 : vector<128x2x128xf32>
    %slice3A_424 = vector.extract_strided_slice %add3A_423 {offsets = [0, 0, 0], sizes = [128, 1, 128], strides = [1, 1, 1]} : vector<128x2x128xf32> to vector<128x1x128xf32>
    %squeeze3A_425 = vector.shape_cast %slice3A_424 : vector<128x1x128xf32> to vector<128x128xf32>
    %slice3A_426 = vector.extract_strided_slice %add3A_423 {offsets = [0, 1, 0], sizes = [128, 1, 128], strides = [1, 1, 1]} : vector<128x2x128xf32> to vector<128x1x128xf32>
    %squeeze3A_427 = vector.shape_cast %slice3A_426 : vector<128x1x128xf32> to vector<128x128xf32>
    %add3A_428 = arith.addf %squeeze3A_425, %squeeze3A_427 : vector<128x128xf32>
    %slice3A_429 = vector.extract_strided_slice %add3A_428 {offsets = [0, 0], sizes = [128, 67], strides = [1, 1]} : vector<128x128xf32> to vector<128x67xf32>
    %get3A_430 = arith.constant 6 : index
    %get3A_431 = arith.constant 0 : index
    %get3A_432 = arith.constant 0 : index
    %get3A_433 = vector.load %arg7[%get3A_430, %get3A_431, %get3A_432] : memref<15x67x64xf32, #tpu.memory_space<vmem>>, vector<1x67x64xf32>
    %get3A_434 = vector.shape_cast %get3A_433 : vector<1x67x64xf32> to vector<67x64xf32>
    %dot_general3A_435 = arith.constant dense<0.000000e+00> : vector<128x64xf32>
    %dot_general3A_436 = tpu.matmul %slice3A_429, %get3A_434, %dot_general3A_435 {dimension_numbers = #tpu.dot_dimension_numbers<[1], [0], [0], [1], [0, 0, 1, 1], [], []>, transpose_lhs_hint = false} : vector<128x67xf32>, vector<67x64xf32>, vector<128x64xf32> -> vector<128x64xf32>
    %add3A_437 = arith.addf %add3A_376, %dot_general3A_436 : vector<128x64xf32>
    %get3A_438 = arith.constant 7 : index
    %get3A_439 = arith.constant 0 : index
    %get3A_440 = memref.load %arg6[%get3A_438, %get3A_439] : memref<15x3xf32, #tpu.memory_space<smem>>
    %get3A_441 = arith.constant 7 : index
    %get3A_442 = arith.constant 1 : index
    %get3A_443 = memref.load %arg6[%get3A_441, %get3A_442] : memref<15x3xf32, #tpu.memory_space<smem>>
    %get3A_444 = arith.constant 7 : index
    %get3A_445 = arith.constant 2 : index
    %get3A_446 = memref.load %arg6[%get3A_444, %get3A_445] : memref<15x3xf32, #tpu.memory_space<smem>>
    %sub3A_447 = vector.broadcast %get3A_440 : f32 to vector<128x16xf32>
    %sub3A_448 = arith.subf %get3A_4, %sub3A_447 : vector<128x16xf32>
    %sub3A_449 = vector.broadcast %get3A_443 : f32 to vector<128x16xf32>
    %sub3A_450 = arith.subf %get3A_7, %sub3A_449 : vector<128x16xf32>
    %sub3A_451 = vector.broadcast %get3A_446 : f32 to vector<128x16xf32>
    %sub3A_452 = arith.subf %get3A_10, %sub3A_451 : vector<128x16xf32>
    %mul3A_453 = arith.mulf %sub3A_448, %sub3A_448 : vector<128x16xf32>
    %mul3A_454 = arith.mulf %sub3A_450, %sub3A_450 : vector<128x16xf32>
    %add3A_455 = arith.addf %mul3A_453, %mul3A_454 : vector<128x16xf32>
    %mul3A_456 = arith.mulf %sub3A_452, %sub3A_452 : vector<128x16xf32>
    %add3A_457 = arith.addf %add3A_455, %mul3A_456 : vector<128x16xf32>
    %add3A_458 = arith.constant 9.99999996E-13 : f32
    %add3A_459 = vector.broadcast %add3A_458 : f32 to vector<128x16xf32>
    %add3A_460 = arith.addf %add3A_457, %add3A_459 : vector<128x16xf32>
    %sqrt3A_461 = math.sqrt %add3A_460 : vector<128x16xf32>
    %mul3A_462 = arith.constant 1.000000e+01 : f32
    %mul3A_463 = vector.broadcast %mul3A_462 : f32 to vector<128x16xf32>
    %mul3A_464 = arith.mulf %sqrt3A_461, %mul3A_463 : vector<128x16xf32>
    %sub3A_465 = arith.constant 1.000000e+00 : f32
    %sub3A_466 = vector.broadcast %sub3A_465 : f32 to vector<128x16xf32>
    %sub3A_467 = arith.subf %sub3A_466, %mul3A_464 : vector<128x16xf32>
    %max3A_468 = arith.constant 0.000000e+00 : f32
    %max3A_469 = vector.broadcast %max3A_468 : f32 to vector<128x16xf32>
    %max3A_470 = arith.maximumf %max3A_469, %sub3A_467 : vector<128x16xf32>
    %mul3A_471 = arith.mulf %max3A_470, %select_n3A : vector<128x16xf32>
    %reshape3A_472 = vector.shape_cast %get3A_1 : vector<2048x128xf32> to vector<128x16x128xf32>
    %broadcast_in_dim3A_473 = vector.shape_cast %mul3A_471 : vector<128x16xf32> to vector<128x16x1xf32>
    %mul3A_474 = vector.broadcast %broadcast_in_dim3A_473 : vector<128x16x1xf32> to vector<128x16x128xf32>
    %mul3A_475 = arith.mulf %reshape3A_472, %mul3A_474 : vector<128x16x128xf32>
    %slice3A_476 = vector.extract_strided_slice %mul3A_475 {offsets = [0, 0, 0], sizes = [128, 8, 128], strides = [1, 1, 1]} : vector<128x16x128xf32> to vector<128x8x128xf32>
    %slice3A_477 = vector.extract_strided_slice %mul3A_475 {offsets = [0, 8, 0], sizes = [128, 8, 128], strides = [1, 1, 1]} : vector<128x16x128xf32> to vector<128x8x128xf32>
    %add3A_478 = arith.addf %slice3A_476, %slice3A_477 : vector<128x8x128xf32>
    %slice3A_479 = vector.extract_strided_slice %add3A_478 {offsets = [0, 0, 0], sizes = [128, 4, 128], strides = [1, 1, 1]} : vector<128x8x128xf32> to vector<128x4x128xf32>
    %slice3A_480 = vector.extract_strided_slice %add3A_478 {offsets = [0, 4, 0], sizes = [128, 4, 128], strides = [1, 1, 1]} : vector<128x8x128xf32> to vector<128x4x128xf32>
    %add3A_481 = arith.addf %slice3A_479, %slice3A_480 : vector<128x4x128xf32>
    %slice3A_482 = vector.extract_strided_slice %add3A_481 {offsets = [0, 0, 0], sizes = [128, 2, 128], strides = [1, 1, 1]} : vector<128x4x128xf32> to vector<128x2x128xf32>
    %slice3A_483 = vector.extract_strided_slice %add3A_481 {offsets = [0, 2, 0], sizes = [128, 2, 128], strides = [1, 1, 1]} : vector<128x4x128xf32> to vector<128x2x128xf32>
    %add3A_484 = arith.addf %slice3A_482, %slice3A_483 : vector<128x2x128xf32>
    %slice3A_485 = vector.extract_strided_slice %add3A_484 {offsets = [0, 0, 0], sizes = [128, 1, 128], strides = [1, 1, 1]} : vector<128x2x128xf32> to vector<128x1x128xf32>
    %squeeze3A_486 = vector.shape_cast %slice3A_485 : vector<128x1x128xf32> to vector<128x128xf32>
    %slice3A_487 = vector.extract_strided_slice %add3A_484 {offsets = [0, 1, 0], sizes = [128, 1, 128], strides = [1, 1, 1]} : vector<128x2x128xf32> to vector<128x1x128xf32>
    %squeeze3A_488 = vector.shape_cast %slice3A_487 : vector<128x1x128xf32> to vector<128x128xf32>
    %add3A_489 = arith.addf %squeeze3A_486, %squeeze3A_488 : vector<128x128xf32>
    %slice3A_490 = vector.extract_strided_slice %add3A_489 {offsets = [0, 0], sizes = [128, 67], strides = [1, 1]} : vector<128x128xf32> to vector<128x67xf32>
    %get3A_491 = arith.constant 7 : index
    %get3A_492 = arith.constant 0 : index
    %get3A_493 = arith.constant 0 : index
    %get3A_494 = vector.load %arg7[%get3A_491, %get3A_492, %get3A_493] : memref<15x67x64xf32, #tpu.memory_space<vmem>>, vector<1x67x64xf32>
    %get3A_495 = vector.shape_cast %get3A_494 : vector<1x67x64xf32> to vector<67x64xf32>
    %dot_general3A_496 = arith.constant dense<0.000000e+00> : vector<128x64xf32>
    %dot_general3A_497 = tpu.matmul %slice3A_490, %get3A_495, %dot_general3A_496 {dimension_numbers = #tpu.dot_dimension_numbers<[1], [0], [0], [1], [0, 0, 1, 1], [], []>, transpose_lhs_hint = false} : vector<128x67xf32>, vector<67x64xf32>, vector<128x64xf32> -> vector<128x64xf32>
    %add3A_498 = arith.addf %add3A_437, %dot_general3A_497 : vector<128x64xf32>
    %get3A_499 = arith.constant 8 : index
    %get3A_500 = arith.constant 0 : index
    %get3A_501 = memref.load %arg6[%get3A_499, %get3A_500] : memref<15x3xf32, #tpu.memory_space<smem>>
    %get3A_502 = arith.constant 8 : index
    %get3A_503 = arith.constant 1 : index
    %get3A_504 = memref.load %arg6[%get3A_502, %get3A_503] : memref<15x3xf32, #tpu.memory_space<smem>>
    %get3A_505 = arith.constant 8 : index
    %get3A_506 = arith.constant 2 : index
    %get3A_507 = memref.load %arg6[%get3A_505, %get3A_506] : memref<15x3xf32, #tpu.memory_space<smem>>
    %sub3A_508 = vector.broadcast %get3A_501 : f32 to vector<128x16xf32>
    %sub3A_509 = arith.subf %get3A_4, %sub3A_508 : vector<128x16xf32>
    %sub3A_510 = vector.broadcast %get3A_504 : f32 to vector<128x16xf32>
    %sub3A_511 = arith.subf %get3A_7, %sub3A_510 : vector<128x16xf32>
    %sub3A_512 = vector.broadcast %get3A_507 : f32 to vector<128x16xf32>
    %sub3A_513 = arith.subf %get3A_10, %sub3A_512 : vector<128x16xf32>
    %mul3A_514 = arith.mulf %sub3A_509, %sub3A_509 : vector<128x16xf32>
    %mul3A_515 = arith.mulf %sub3A_511, %sub3A_511 : vector<128x16xf32>
    %add3A_516 = arith.addf %mul3A_514, %mul3A_515 : vector<128x16xf32>
    %mul3A_517 = arith.mulf %sub3A_513, %sub3A_513 : vector<128x16xf32>
    %add3A_518 = arith.addf %add3A_516, %mul3A_517 : vector<128x16xf32>
    %add3A_519 = arith.constant 9.99999996E-13 : f32
    %add3A_520 = vector.broadcast %add3A_519 : f32 to vector<128x16xf32>
    %add3A_521 = arith.addf %add3A_518, %add3A_520 : vector<128x16xf32>
    %sqrt3A_522 = math.sqrt %add3A_521 : vector<128x16xf32>
    %mul3A_523 = arith.constant 1.000000e+01 : f32
    %mul3A_524 = vector.broadcast %mul3A_523 : f32 to vector<128x16xf32>
    %mul3A_525 = arith.mulf %sqrt3A_522, %mul3A_524 : vector<128x16xf32>
    %sub3A_526 = arith.constant 1.000000e+00 : f32
    %sub3A_527 = vector.broadcast %sub3A_526 : f32 to vector<128x16xf32>
    %sub3A_528 = arith.subf %sub3A_527, %mul3A_525 : vector<128x16xf32>
    %max3A_529 = arith.constant 0.000000e+00 : f32
    %max3A_530 = vector.broadcast %max3A_529 : f32 to vector<128x16xf32>
    %max3A_531 = arith.maximumf %max3A_530, %sub3A_528 : vector<128x16xf32>
    %mul3A_532 = arith.mulf %max3A_531, %select_n3A : vector<128x16xf32>
    %reshape3A_533 = vector.shape_cast %get3A_1 : vector<2048x128xf32> to vector<128x16x128xf32>
    %broadcast_in_dim3A_534 = vector.shape_cast %mul3A_532 : vector<128x16xf32> to vector<128x16x1xf32>
    %mul3A_535 = vector.broadcast %broadcast_in_dim3A_534 : vector<128x16x1xf32> to vector<128x16x128xf32>
    %mul3A_536 = arith.mulf %reshape3A_533, %mul3A_535 : vector<128x16x128xf32>
    %slice3A_537 = vector.extract_strided_slice %mul3A_536 {offsets = [0, 0, 0], sizes = [128, 8, 128], strides = [1, 1, 1]} : vector<128x16x128xf32> to vector<128x8x128xf32>
    %slice3A_538 = vector.extract_strided_slice %mul3A_536 {offsets = [0, 8, 0], sizes = [128, 8, 128], strides = [1, 1, 1]} : vector<128x16x128xf32> to vector<128x8x128xf32>
    %add3A_539 = arith.addf %slice3A_537, %slice3A_538 : vector<128x8x128xf32>
    %slice3A_540 = vector.extract_strided_slice %add3A_539 {offsets = [0, 0, 0], sizes = [128, 4, 128], strides = [1, 1, 1]} : vector<128x8x128xf32> to vector<128x4x128xf32>
    %slice3A_541 = vector.extract_strided_slice %add3A_539 {offsets = [0, 4, 0], sizes = [128, 4, 128], strides = [1, 1, 1]} : vector<128x8x128xf32> to vector<128x4x128xf32>
    %add3A_542 = arith.addf %slice3A_540, %slice3A_541 : vector<128x4x128xf32>
    %slice3A_543 = vector.extract_strided_slice %add3A_542 {offsets = [0, 0, 0], sizes = [128, 2, 128], strides = [1, 1, 1]} : vector<128x4x128xf32> to vector<128x2x128xf32>
    %slice3A_544 = vector.extract_strided_slice %add3A_542 {offsets = [0, 2, 0], sizes = [128, 2, 128], strides = [1, 1, 1]} : vector<128x4x128xf32> to vector<128x2x128xf32>
    %add3A_545 = arith.addf %slice3A_543, %slice3A_544 : vector<128x2x128xf32>
    %slice3A_546 = vector.extract_strided_slice %add3A_545 {offsets = [0, 0, 0], sizes = [128, 1, 128], strides = [1, 1, 1]} : vector<128x2x128xf32> to vector<128x1x128xf32>
    %squeeze3A_547 = vector.shape_cast %slice3A_546 : vector<128x1x128xf32> to vector<128x128xf32>
    %slice3A_548 = vector.extract_strided_slice %add3A_545 {offsets = [0, 1, 0], sizes = [128, 1, 128], strides = [1, 1, 1]} : vector<128x2x128xf32> to vector<128x1x128xf32>
    %squeeze3A_549 = vector.shape_cast %slice3A_548 : vector<128x1x128xf32> to vector<128x128xf32>
    %add3A_550 = arith.addf %squeeze3A_547, %squeeze3A_549 : vector<128x128xf32>
    %slice3A_551 = vector.extract_strided_slice %add3A_550 {offsets = [0, 0], sizes = [128, 67], strides = [1, 1]} : vector<128x128xf32> to vector<128x67xf32>
    %get3A_552 = arith.constant 8 : index
    %get3A_553 = arith.constant 0 : index
    %get3A_554 = arith.constant 0 : index
    %get3A_555 = vector.load %arg7[%get3A_552, %get3A_553, %get3A_554] : memref<15x67x64xf32, #tpu.memory_space<vmem>>, vector<1x67x64xf32>
    %get3A_556 = vector.shape_cast %get3A_555 : vector<1x67x64xf32> to vector<67x64xf32>
    %dot_general3A_557 = arith.constant dense<0.000000e+00> : vector<128x64xf32>
    %dot_general3A_558 = tpu.matmul %slice3A_551, %get3A_556, %dot_general3A_557 {dimension_numbers = #tpu.dot_dimension_numbers<[1], [0], [0], [1], [0, 0, 1, 1], [], []>, transpose_lhs_hint = false} : vector<128x67xf32>, vector<67x64xf32>, vector<128x64xf32> -> vector<128x64xf32>
    %add3A_559 = arith.addf %add3A_498, %dot_general3A_558 : vector<128x64xf32>
    %get3A_560 = arith.constant 9 : index
    %get3A_561 = arith.constant 0 : index
    %get3A_562 = memref.load %arg6[%get3A_560, %get3A_561] : memref<15x3xf32, #tpu.memory_space<smem>>
    %get3A_563 = arith.constant 9 : index
    %get3A_564 = arith.constant 1 : index
    %get3A_565 = memref.load %arg6[%get3A_563, %get3A_564] : memref<15x3xf32, #tpu.memory_space<smem>>
    %get3A_566 = arith.constant 9 : index
    %get3A_567 = arith.constant 2 : index
    %get3A_568 = memref.load %arg6[%get3A_566, %get3A_567] : memref<15x3xf32, #tpu.memory_space<smem>>
    %sub3A_569 = vector.broadcast %get3A_562 : f32 to vector<128x16xf32>
    %sub3A_570 = arith.subf %get3A_4, %sub3A_569 : vector<128x16xf32>
    %sub3A_571 = vector.broadcast %get3A_565 : f32 to vector<128x16xf32>
    %sub3A_572 = arith.subf %get3A_7, %sub3A_571 : vector<128x16xf32>
    %sub3A_573 = vector.broadcast %get3A_568 : f32 to vector<128x16xf32>
    %sub3A_574 = arith.subf %get3A_10, %sub3A_573 : vector<128x16xf32>
    %mul3A_575 = arith.mulf %sub3A_570, %sub3A_570 : vector<128x16xf32>
    %mul3A_576 = arith.mulf %sub3A_572, %sub3A_572 : vector<128x16xf32>
    %add3A_577 = arith.addf %mul3A_575, %mul3A_576 : vector<128x16xf32>
    %mul3A_578 = arith.mulf %sub3A_574, %sub3A_574 : vector<128x16xf32>
    %add3A_579 = arith.addf %add3A_577, %mul3A_578 : vector<128x16xf32>
    %add3A_580 = arith.constant 9.99999996E-13 : f32
    %add3A_581 = vector.broadcast %add3A_580 : f32 to vector<128x16xf32>
    %add3A_582 = arith.addf %add3A_579, %add3A_581 : vector<128x16xf32>
    %sqrt3A_583 = math.sqrt %add3A_582 : vector<128x16xf32>
    %mul3A_584 = arith.constant 1.000000e+01 : f32
    %mul3A_585 = vector.broadcast %mul3A_584 : f32 to vector<128x16xf32>
    %mul3A_586 = arith.mulf %sqrt3A_583, %mul3A_585 : vector<128x16xf32>
    %sub3A_587 = arith.constant 1.000000e+00 : f32
    %sub3A_588 = vector.broadcast %sub3A_587 : f32 to vector<128x16xf32>
    %sub3A_589 = arith.subf %sub3A_588, %mul3A_586 : vector<128x16xf32>
    %max3A_590 = arith.constant 0.000000e+00 : f32
    %max3A_591 = vector.broadcast %max3A_590 : f32 to vector<128x16xf32>
    %max3A_592 = arith.maximumf %max3A_591, %sub3A_589 : vector<128x16xf32>
    %mul3A_593 = arith.mulf %max3A_592, %select_n3A : vector<128x16xf32>
    %reshape3A_594 = vector.shape_cast %get3A_1 : vector<2048x128xf32> to vector<128x16x128xf32>
    %broadcast_in_dim3A_595 = vector.shape_cast %mul3A_593 : vector<128x16xf32> to vector<128x16x1xf32>
    %mul3A_596 = vector.broadcast %broadcast_in_dim3A_595 : vector<128x16x1xf32> to vector<128x16x128xf32>
    %mul3A_597 = arith.mulf %reshape3A_594, %mul3A_596 : vector<128x16x128xf32>
    %slice3A_598 = vector.extract_strided_slice %mul3A_597 {offsets = [0, 0, 0], sizes = [128, 8, 128], strides = [1, 1, 1]} : vector<128x16x128xf32> to vector<128x8x128xf32>
    %slice3A_599 = vector.extract_strided_slice %mul3A_597 {offsets = [0, 8, 0], sizes = [128, 8, 128], strides = [1, 1, 1]} : vector<128x16x128xf32> to vector<128x8x128xf32>
    %add3A_600 = arith.addf %slice3A_598, %slice3A_599 : vector<128x8x128xf32>
    %slice3A_601 = vector.extract_strided_slice %add3A_600 {offsets = [0, 0, 0], sizes = [128, 4, 128], strides = [1, 1, 1]} : vector<128x8x128xf32> to vector<128x4x128xf32>
    %slice3A_602 = vector.extract_strided_slice %add3A_600 {offsets = [0, 4, 0], sizes = [128, 4, 128], strides = [1, 1, 1]} : vector<128x8x128xf32> to vector<128x4x128xf32>
    %add3A_603 = arith.addf %slice3A_601, %slice3A_602 : vector<128x4x128xf32>
    %slice3A_604 = vector.extract_strided_slice %add3A_603 {offsets = [0, 0, 0], sizes = [128, 2, 128], strides = [1, 1, 1]} : vector<128x4x128xf32> to vector<128x2x128xf32>
    %slice3A_605 = vector.extract_strided_slice %add3A_603 {offsets = [0, 2, 0], sizes = [128, 2, 128], strides = [1, 1, 1]} : vector<128x4x128xf32> to vector<128x2x128xf32>
    %add3A_606 = arith.addf %slice3A_604, %slice3A_605 : vector<128x2x128xf32>
    %slice3A_607 = vector.extract_strided_slice %add3A_606 {offsets = [0, 0, 0], sizes = [128, 1, 128], strides = [1, 1, 1]} : vector<128x2x128xf32> to vector<128x1x128xf32>
    %squeeze3A_608 = vector.shape_cast %slice3A_607 : vector<128x1x128xf32> to vector<128x128xf32>
    %slice3A_609 = vector.extract_strided_slice %add3A_606 {offsets = [0, 1, 0], sizes = [128, 1, 128], strides = [1, 1, 1]} : vector<128x2x128xf32> to vector<128x1x128xf32>
    %squeeze3A_610 = vector.shape_cast %slice3A_609 : vector<128x1x128xf32> to vector<128x128xf32>
    %add3A_611 = arith.addf %squeeze3A_608, %squeeze3A_610 : vector<128x128xf32>
    %slice3A_612 = vector.extract_strided_slice %add3A_611 {offsets = [0, 0], sizes = [128, 67], strides = [1, 1]} : vector<128x128xf32> to vector<128x67xf32>
    %get3A_613 = arith.constant 9 : index
    %get3A_614 = arith.constant 0 : index
    %get3A_615 = arith.constant 0 : index
    %get3A_616 = vector.load %arg7[%get3A_613, %get3A_614, %get3A_615] : memref<15x67x64xf32, #tpu.memory_space<vmem>>, vector<1x67x64xf32>
    %get3A_617 = vector.shape_cast %get3A_616 : vector<1x67x64xf32> to vector<67x64xf32>
    %dot_general3A_618 = arith.constant dense<0.000000e+00> : vector<128x64xf32>
    %dot_general3A_619 = tpu.matmul %slice3A_612, %get3A_617, %dot_general3A_618 {dimension_numbers = #tpu.dot_dimension_numbers<[1], [0], [0], [1], [0, 0, 1, 1], [], []>, transpose_lhs_hint = false} : vector<128x67xf32>, vector<67x64xf32>, vector<128x64xf32> -> vector<128x64xf32>
    %add3A_620 = arith.addf %add3A_559, %dot_general3A_619 : vector<128x64xf32>
    %get3A_621 = arith.constant 10 : index
    %get3A_622 = arith.constant 0 : index
    %get3A_623 = memref.load %arg6[%get3A_621, %get3A_622] : memref<15x3xf32, #tpu.memory_space<smem>>
    %get3A_624 = arith.constant 10 : index
    %get3A_625 = arith.constant 1 : index
    %get3A_626 = memref.load %arg6[%get3A_624, %get3A_625] : memref<15x3xf32, #tpu.memory_space<smem>>
    %get3A_627 = arith.constant 10 : index
    %get3A_628 = arith.constant 2 : index
    %get3A_629 = memref.load %arg6[%get3A_627, %get3A_628] : memref<15x3xf32, #tpu.memory_space<smem>>
    %sub3A_630 = vector.broadcast %get3A_623 : f32 to vector<128x16xf32>
    %sub3A_631 = arith.subf %get3A_4, %sub3A_630 : vector<128x16xf32>
    %sub3A_632 = vector.broadcast %get3A_626 : f32 to vector<128x16xf32>
    %sub3A_633 = arith.subf %get3A_7, %sub3A_632 : vector<128x16xf32>
    %sub3A_634 = vector.broadcast %get3A_629 : f32 to vector<128x16xf32>
    %sub3A_635 = arith.subf %get3A_10, %sub3A_634 : vector<128x16xf32>
    %mul3A_636 = arith.mulf %sub3A_631, %sub3A_631 : vector<128x16xf32>
    %mul3A_637 = arith.mulf %sub3A_633, %sub3A_633 : vector<128x16xf32>
    %add3A_638 = arith.addf %mul3A_636, %mul3A_637 : vector<128x16xf32>
    %mul3A_639 = arith.mulf %sub3A_635, %sub3A_635 : vector<128x16xf32>
    %add3A_640 = arith.addf %add3A_638, %mul3A_639 : vector<128x16xf32>
    %add3A_641 = arith.constant 9.99999996E-13 : f32
    %add3A_642 = vector.broadcast %add3A_641 : f32 to vector<128x16xf32>
    %add3A_643 = arith.addf %add3A_640, %add3A_642 : vector<128x16xf32>
    %sqrt3A_644 = math.sqrt %add3A_643 : vector<128x16xf32>
    %mul3A_645 = arith.constant 1.000000e+01 : f32
    %mul3A_646 = vector.broadcast %mul3A_645 : f32 to vector<128x16xf32>
    %mul3A_647 = arith.mulf %sqrt3A_644, %mul3A_646 : vector<128x16xf32>
    %sub3A_648 = arith.constant 1.000000e+00 : f32
    %sub3A_649 = vector.broadcast %sub3A_648 : f32 to vector<128x16xf32>
    %sub3A_650 = arith.subf %sub3A_649, %mul3A_647 : vector<128x16xf32>
    %max3A_651 = arith.constant 0.000000e+00 : f32
    %max3A_652 = vector.broadcast %max3A_651 : f32 to vector<128x16xf32>
    %max3A_653 = arith.maximumf %max3A_652, %sub3A_650 : vector<128x16xf32>
    %mul3A_654 = arith.mulf %max3A_653, %select_n3A : vector<128x16xf32>
    %reshape3A_655 = vector.shape_cast %get3A_1 : vector<2048x128xf32> to vector<128x16x128xf32>
    %broadcast_in_dim3A_656 = vector.shape_cast %mul3A_654 : vector<128x16xf32> to vector<128x16x1xf32>
    %mul3A_657 = vector.broadcast %broadcast_in_dim3A_656 : vector<128x16x1xf32> to vector<128x16x128xf32>
    %mul3A_658 = arith.mulf %reshape3A_655, %mul3A_657 : vector<128x16x128xf32>
    %slice3A_659 = vector.extract_strided_slice %mul3A_658 {offsets = [0, 0, 0], sizes = [128, 8, 128], strides = [1, 1, 1]} : vector<128x16x128xf32> to vector<128x8x128xf32>
    %slice3A_660 = vector.extract_strided_slice %mul3A_658 {offsets = [0, 8, 0], sizes = [128, 8, 128], strides = [1, 1, 1]} : vector<128x16x128xf32> to vector<128x8x128xf32>
    %add3A_661 = arith.addf %slice3A_659, %slice3A_660 : vector<128x8x128xf32>
    %slice3A_662 = vector.extract_strided_slice %add3A_661 {offsets = [0, 0, 0], sizes = [128, 4, 128], strides = [1, 1, 1]} : vector<128x8x128xf32> to vector<128x4x128xf32>
    %slice3A_663 = vector.extract_strided_slice %add3A_661 {offsets = [0, 4, 0], sizes = [128, 4, 128], strides = [1, 1, 1]} : vector<128x8x128xf32> to vector<128x4x128xf32>
    %add3A_664 = arith.addf %slice3A_662, %slice3A_663 : vector<128x4x128xf32>
    %slice3A_665 = vector.extract_strided_slice %add3A_664 {offsets = [0, 0, 0], sizes = [128, 2, 128], strides = [1, 1, 1]} : vector<128x4x128xf32> to vector<128x2x128xf32>
    %slice3A_666 = vector.extract_strided_slice %add3A_664 {offsets = [0, 2, 0], sizes = [128, 2, 128], strides = [1, 1, 1]} : vector<128x4x128xf32> to vector<128x2x128xf32>
    %add3A_667 = arith.addf %slice3A_665, %slice3A_666 : vector<128x2x128xf32>
    %slice3A_668 = vector.extract_strided_slice %add3A_667 {offsets = [0, 0, 0], sizes = [128, 1, 128], strides = [1, 1, 1]} : vector<128x2x128xf32> to vector<128x1x128xf32>
    %squeeze3A_669 = vector.shape_cast %slice3A_668 : vector<128x1x128xf32> to vector<128x128xf32>
    %slice3A_670 = vector.extract_strided_slice %add3A_667 {offsets = [0, 1, 0], sizes = [128, 1, 128], strides = [1, 1, 1]} : vector<128x2x128xf32> to vector<128x1x128xf32>
    %squeeze3A_671 = vector.shape_cast %slice3A_670 : vector<128x1x128xf32> to vector<128x128xf32>
    %add3A_672 = arith.addf %squeeze3A_669, %squeeze3A_671 : vector<128x128xf32>
    %slice3A_673 = vector.extract_strided_slice %add3A_672 {offsets = [0, 0], sizes = [128, 67], strides = [1, 1]} : vector<128x128xf32> to vector<128x67xf32>
    %get3A_674 = arith.constant 10 : index
    %get3A_675 = arith.constant 0 : index
    %get3A_676 = arith.constant 0 : index
    %get3A_677 = vector.load %arg7[%get3A_674, %get3A_675, %get3A_676] : memref<15x67x64xf32, #tpu.memory_space<vmem>>, vector<1x67x64xf32>
    %get3A_678 = vector.shape_cast %get3A_677 : vector<1x67x64xf32> to vector<67x64xf32>
    %dot_general3A_679 = arith.constant dense<0.000000e+00> : vector<128x64xf32>
    %dot_general3A_680 = tpu.matmul %slice3A_673, %get3A_678, %dot_general3A_679 {dimension_numbers = #tpu.dot_dimension_numbers<[1], [0], [0], [1], [0, 0, 1, 1], [], []>, transpose_lhs_hint = false} : vector<128x67xf32>, vector<67x64xf32>, vector<128x64xf32> -> vector<128x64xf32>
    %add3A_681 = arith.addf %add3A_620, %dot_general3A_680 : vector<128x64xf32>
    %get3A_682 = arith.constant 11 : index
    %get3A_683 = arith.constant 0 : index
    %get3A_684 = memref.load %arg6[%get3A_682, %get3A_683] : memref<15x3xf32, #tpu.memory_space<smem>>
    %get3A_685 = arith.constant 11 : index
    %get3A_686 = arith.constant 1 : index
    %get3A_687 = memref.load %arg6[%get3A_685, %get3A_686] : memref<15x3xf32, #tpu.memory_space<smem>>
    %get3A_688 = arith.constant 11 : index
    %get3A_689 = arith.constant 2 : index
    %get3A_690 = memref.load %arg6[%get3A_688, %get3A_689] : memref<15x3xf32, #tpu.memory_space<smem>>
    %sub3A_691 = vector.broadcast %get3A_684 : f32 to vector<128x16xf32>
    %sub3A_692 = arith.subf %get3A_4, %sub3A_691 : vector<128x16xf32>
    %sub3A_693 = vector.broadcast %get3A_687 : f32 to vector<128x16xf32>
    %sub3A_694 = arith.subf %get3A_7, %sub3A_693 : vector<128x16xf32>
    %sub3A_695 = vector.broadcast %get3A_690 : f32 to vector<128x16xf32>
    %sub3A_696 = arith.subf %get3A_10, %sub3A_695 : vector<128x16xf32>
    %mul3A_697 = arith.mulf %sub3A_692, %sub3A_692 : vector<128x16xf32>
    %mul3A_698 = arith.mulf %sub3A_694, %sub3A_694 : vector<128x16xf32>
    %add3A_699 = arith.addf %mul3A_697, %mul3A_698 : vector<128x16xf32>
    %mul3A_700 = arith.mulf %sub3A_696, %sub3A_696 : vector<128x16xf32>
    %add3A_701 = arith.addf %add3A_699, %mul3A_700 : vector<128x16xf32>
    %add3A_702 = arith.constant 9.99999996E-13 : f32
    %add3A_703 = vector.broadcast %add3A_702 : f32 to vector<128x16xf32>
    %add3A_704 = arith.addf %add3A_701, %add3A_703 : vector<128x16xf32>
    %sqrt3A_705 = math.sqrt %add3A_704 : vector<128x16xf32>
    %mul3A_706 = arith.constant 1.000000e+01 : f32
    %mul3A_707 = vector.broadcast %mul3A_706 : f32 to vector<128x16xf32>
    %mul3A_708 = arith.mulf %sqrt3A_705, %mul3A_707 : vector<128x16xf32>
    %sub3A_709 = arith.constant 1.000000e+00 : f32
    %sub3A_710 = vector.broadcast %sub3A_709 : f32 to vector<128x16xf32>
    %sub3A_711 = arith.subf %sub3A_710, %mul3A_708 : vector<128x16xf32>
    %max3A_712 = arith.constant 0.000000e+00 : f32
    %max3A_713 = vector.broadcast %max3A_712 : f32 to vector<128x16xf32>
    %max3A_714 = arith.maximumf %max3A_713, %sub3A_711 : vector<128x16xf32>
    %mul3A_715 = arith.mulf %max3A_714, %select_n3A : vector<128x16xf32>
    %reshape3A_716 = vector.shape_cast %get3A_1 : vector<2048x128xf32> to vector<128x16x128xf32>
    %broadcast_in_dim3A_717 = vector.shape_cast %mul3A_715 : vector<128x16xf32> to vector<128x16x1xf32>
    %mul3A_718 = vector.broadcast %broadcast_in_dim3A_717 : vector<128x16x1xf32> to vector<128x16x128xf32>
    %mul3A_719 = arith.mulf %reshape3A_716, %mul3A_718 : vector<128x16x128xf32>
    %slice3A_720 = vector.extract_strided_slice %mul3A_719 {offsets = [0, 0, 0], sizes = [128, 8, 128], strides = [1, 1, 1]} : vector<128x16x128xf32> to vector<128x8x128xf32>
    %slice3A_721 = vector.extract_strided_slice %mul3A_719 {offsets = [0, 8, 0], sizes = [128, 8, 128], strides = [1, 1, 1]} : vector<128x16x128xf32> to vector<128x8x128xf32>
    %add3A_722 = arith.addf %slice3A_720, %slice3A_721 : vector<128x8x128xf32>
    %slice3A_723 = vector.extract_strided_slice %add3A_722 {offsets = [0, 0, 0], sizes = [128, 4, 128], strides = [1, 1, 1]} : vector<128x8x128xf32> to vector<128x4x128xf32>
    %slice3A_724 = vector.extract_strided_slice %add3A_722 {offsets = [0, 4, 0], sizes = [128, 4, 128], strides = [1, 1, 1]} : vector<128x8x128xf32> to vector<128x4x128xf32>
    %add3A_725 = arith.addf %slice3A_723, %slice3A_724 : vector<128x4x128xf32>
    %slice3A_726 = vector.extract_strided_slice %add3A_725 {offsets = [0, 0, 0], sizes = [128, 2, 128], strides = [1, 1, 1]} : vector<128x4x128xf32> to vector<128x2x128xf32>
    %slice3A_727 = vector.extract_strided_slice %add3A_725 {offsets = [0, 2, 0], sizes = [128, 2, 128], strides = [1, 1, 1]} : vector<128x4x128xf32> to vector<128x2x128xf32>
    %add3A_728 = arith.addf %slice3A_726, %slice3A_727 : vector<128x2x128xf32>
    %slice3A_729 = vector.extract_strided_slice %add3A_728 {offsets = [0, 0, 0], sizes = [128, 1, 128], strides = [1, 1, 1]} : vector<128x2x128xf32> to vector<128x1x128xf32>
    %squeeze3A_730 = vector.shape_cast %slice3A_729 : vector<128x1x128xf32> to vector<128x128xf32>
    %slice3A_731 = vector.extract_strided_slice %add3A_728 {offsets = [0, 1, 0], sizes = [128, 1, 128], strides = [1, 1, 1]} : vector<128x2x128xf32> to vector<128x1x128xf32>
    %squeeze3A_732 = vector.shape_cast %slice3A_731 : vector<128x1x128xf32> to vector<128x128xf32>
    %add3A_733 = arith.addf %squeeze3A_730, %squeeze3A_732 : vector<128x128xf32>
    %slice3A_734 = vector.extract_strided_slice %add3A_733 {offsets = [0, 0], sizes = [128, 67], strides = [1, 1]} : vector<128x128xf32> to vector<128x67xf32>
    %get3A_735 = arith.constant 11 : index
    %get3A_736 = arith.constant 0 : index
    %get3A_737 = arith.constant 0 : index
    %get3A_738 = vector.load %arg7[%get3A_735, %get3A_736, %get3A_737] : memref<15x67x64xf32, #tpu.memory_space<vmem>>, vector<1x67x64xf32>
    %get3A_739 = vector.shape_cast %get3A_738 : vector<1x67x64xf32> to vector<67x64xf32>
    %dot_general3A_740 = arith.constant dense<0.000000e+00> : vector<128x64xf32>
    %dot_general3A_741 = tpu.matmul %slice3A_734, %get3A_739, %dot_general3A_740 {dimension_numbers = #tpu.dot_dimension_numbers<[1], [0], [0], [1], [0, 0, 1, 1], [], []>, transpose_lhs_hint = false} : vector<128x67xf32>, vector<67x64xf32>, vector<128x64xf32> -> vector<128x64xf32>
    %add3A_742 = arith.addf %add3A_681, %dot_general3A_741 : vector<128x64xf32>
    %get3A_743 = arith.constant 12 : index
    %get3A_744 = arith.constant 0 : index
    %get3A_745 = memref.load %arg6[%get3A_743, %get3A_744] : memref<15x3xf32, #tpu.memory_space<smem>>
    %get3A_746 = arith.constant 12 : index
    %get3A_747 = arith.constant 1 : index
    %get3A_748 = memref.load %arg6[%get3A_746, %get3A_747] : memref<15x3xf32, #tpu.memory_space<smem>>
    %get3A_749 = arith.constant 12 : index
    %get3A_750 = arith.constant 2 : index
    %get3A_751 = memref.load %arg6[%get3A_749, %get3A_750] : memref<15x3xf32, #tpu.memory_space<smem>>
    %sub3A_752 = vector.broadcast %get3A_745 : f32 to vector<128x16xf32>
    %sub3A_753 = arith.subf %get3A_4, %sub3A_752 : vector<128x16xf32>
    %sub3A_754 = vector.broadcast %get3A_748 : f32 to vector<128x16xf32>
    %sub3A_755 = arith.subf %get3A_7, %sub3A_754 : vector<128x16xf32>
    %sub3A_756 = vector.broadcast %get3A_751 : f32 to vector<128x16xf32>
    %sub3A_757 = arith.subf %get3A_10, %sub3A_756 : vector<128x16xf32>
    %mul3A_758 = arith.mulf %sub3A_753, %sub3A_753 : vector<128x16xf32>
    %mul3A_759 = arith.mulf %sub3A_755, %sub3A_755 : vector<128x16xf32>
    %add3A_760 = arith.addf %mul3A_758, %mul3A_759 : vector<128x16xf32>
    %mul3A_761 = arith.mulf %sub3A_757, %sub3A_757 : vector<128x16xf32>
    %add3A_762 = arith.addf %add3A_760, %mul3A_761 : vector<128x16xf32>
    %add3A_763 = arith.constant 9.99999996E-13 : f32
    %add3A_764 = vector.broadcast %add3A_763 : f32 to vector<128x16xf32>
    %add3A_765 = arith.addf %add3A_762, %add3A_764 : vector<128x16xf32>
    %sqrt3A_766 = math.sqrt %add3A_765 : vector<128x16xf32>
    %mul3A_767 = arith.constant 1.000000e+01 : f32
    %mul3A_768 = vector.broadcast %mul3A_767 : f32 to vector<128x16xf32>
    %mul3A_769 = arith.mulf %sqrt3A_766, %mul3A_768 : vector<128x16xf32>
    %sub3A_770 = arith.constant 1.000000e+00 : f32
    %sub3A_771 = vector.broadcast %sub3A_770 : f32 to vector<128x16xf32>
    %sub3A_772 = arith.subf %sub3A_771, %mul3A_769 : vector<128x16xf32>
    %max3A_773 = arith.constant 0.000000e+00 : f32
    %max3A_774 = vector.broadcast %max3A_773 : f32 to vector<128x16xf32>
    %max3A_775 = arith.maximumf %max3A_774, %sub3A_772 : vector<128x16xf32>
    %mul3A_776 = arith.mulf %max3A_775, %select_n3A : vector<128x16xf32>
    %reshape3A_777 = vector.shape_cast %get3A_1 : vector<2048x128xf32> to vector<128x16x128xf32>
    %broadcast_in_dim3A_778 = vector.shape_cast %mul3A_776 : vector<128x16xf32> to vector<128x16x1xf32>
    %mul3A_779 = vector.broadcast %broadcast_in_dim3A_778 : vector<128x16x1xf32> to vector<128x16x128xf32>
    %mul3A_780 = arith.mulf %reshape3A_777, %mul3A_779 : vector<128x16x128xf32>
    %slice3A_781 = vector.extract_strided_slice %mul3A_780 {offsets = [0, 0, 0], sizes = [128, 8, 128], strides = [1, 1, 1]} : vector<128x16x128xf32> to vector<128x8x128xf32>
    %slice3A_782 = vector.extract_strided_slice %mul3A_780 {offsets = [0, 8, 0], sizes = [128, 8, 128], strides = [1, 1, 1]} : vector<128x16x128xf32> to vector<128x8x128xf32>
    %add3A_783 = arith.addf %slice3A_781, %slice3A_782 : vector<128x8x128xf32>
    %slice3A_784 = vector.extract_strided_slice %add3A_783 {offsets = [0, 0, 0], sizes = [128, 4, 128], strides = [1, 1, 1]} : vector<128x8x128xf32> to vector<128x4x128xf32>
    %slice3A_785 = vector.extract_strided_slice %add3A_783 {offsets = [0, 4, 0], sizes = [128, 4, 128], strides = [1, 1, 1]} : vector<128x8x128xf32> to vector<128x4x128xf32>
    %add3A_786 = arith.addf %slice3A_784, %slice3A_785 : vector<128x4x128xf32>
    %slice3A_787 = vector.extract_strided_slice %add3A_786 {offsets = [0, 0, 0], sizes = [128, 2, 128], strides = [1, 1, 1]} : vector<128x4x128xf32> to vector<128x2x128xf32>
    %slice3A_788 = vector.extract_strided_slice %add3A_786 {offsets = [0, 2, 0], sizes = [128, 2, 128], strides = [1, 1, 1]} : vector<128x4x128xf32> to vector<128x2x128xf32>
    %add3A_789 = arith.addf %slice3A_787, %slice3A_788 : vector<128x2x128xf32>
    %slice3A_790 = vector.extract_strided_slice %add3A_789 {offsets = [0, 0, 0], sizes = [128, 1, 128], strides = [1, 1, 1]} : vector<128x2x128xf32> to vector<128x1x128xf32>
    %squeeze3A_791 = vector.shape_cast %slice3A_790 : vector<128x1x128xf32> to vector<128x128xf32>
    %slice3A_792 = vector.extract_strided_slice %add3A_789 {offsets = [0, 1, 0], sizes = [128, 1, 128], strides = [1, 1, 1]} : vector<128x2x128xf32> to vector<128x1x128xf32>
    %squeeze3A_793 = vector.shape_cast %slice3A_792 : vector<128x1x128xf32> to vector<128x128xf32>
    %add3A_794 = arith.addf %squeeze3A_791, %squeeze3A_793 : vector<128x128xf32>
    %slice3A_795 = vector.extract_strided_slice %add3A_794 {offsets = [0, 0], sizes = [128, 67], strides = [1, 1]} : vector<128x128xf32> to vector<128x67xf32>
    %get3A_796 = arith.constant 12 : index
    %get3A_797 = arith.constant 0 : index
    %get3A_798 = arith.constant 0 : index
    %get3A_799 = vector.load %arg7[%get3A_796, %get3A_797, %get3A_798] : memref<15x67x64xf32, #tpu.memory_space<vmem>>, vector<1x67x64xf32>
    %get3A_800 = vector.shape_cast %get3A_799 : vector<1x67x64xf32> to vector<67x64xf32>
    %dot_general3A_801 = arith.constant dense<0.000000e+00> : vector<128x64xf32>
    %dot_general3A_802 = tpu.matmul %slice3A_795, %get3A_800, %dot_general3A_801 {dimension_numbers = #tpu.dot_dimension_numbers<[1], [0], [0], [1], [0, 0, 1, 1], [], []>, transpose_lhs_hint = false} : vector<128x67xf32>, vector<67x64xf32>, vector<128x64xf32> -> vector<128x64xf32>
    %add3A_803 = arith.addf %add3A_742, %dot_general3A_802 : vector<128x64xf32>
    %get3A_804 = arith.constant 13 : index
    %get3A_805 = arith.constant 0 : index
    %get3A_806 = memref.load %arg6[%get3A_804, %get3A_805] : memref<15x3xf32, #tpu.memory_space<smem>>
    %get3A_807 = arith.constant 13 : index
    %get3A_808 = arith.constant 1 : index
    %get3A_809 = memref.load %arg6[%get3A_807, %get3A_808] : memref<15x3xf32, #tpu.memory_space<smem>>
    %get3A_810 = arith.constant 13 : index
    %get3A_811 = arith.constant 2 : index
    %get3A_812 = memref.load %arg6[%get3A_810, %get3A_811] : memref<15x3xf32, #tpu.memory_space<smem>>
    %sub3A_813 = vector.broadcast %get3A_806 : f32 to vector<128x16xf32>
    %sub3A_814 = arith.subf %get3A_4, %sub3A_813 : vector<128x16xf32>
    %sub3A_815 = vector.broadcast %get3A_809 : f32 to vector<128x16xf32>
    %sub3A_816 = arith.subf %get3A_7, %sub3A_815 : vector<128x16xf32>
    %sub3A_817 = vector.broadcast %get3A_812 : f32 to vector<128x16xf32>
    %sub3A_818 = arith.subf %get3A_10, %sub3A_817 : vector<128x16xf32>
    %mul3A_819 = arith.mulf %sub3A_814, %sub3A_814 : vector<128x16xf32>
    %mul3A_820 = arith.mulf %sub3A_816, %sub3A_816 : vector<128x16xf32>
    %add3A_821 = arith.addf %mul3A_819, %mul3A_820 : vector<128x16xf32>
    %mul3A_822 = arith.mulf %sub3A_818, %sub3A_818 : vector<128x16xf32>
    %add3A_823 = arith.addf %add3A_821, %mul3A_822 : vector<128x16xf32>
    %add3A_824 = arith.constant 9.99999996E-13 : f32
    %add3A_825 = vector.broadcast %add3A_824 : f32 to vector<128x16xf32>
    %add3A_826 = arith.addf %add3A_823, %add3A_825 : vector<128x16xf32>
    %sqrt3A_827 = math.sqrt %add3A_826 : vector<128x16xf32>
    %mul3A_828 = arith.constant 1.000000e+01 : f32
    %mul3A_829 = vector.broadcast %mul3A_828 : f32 to vector<128x16xf32>
    %mul3A_830 = arith.mulf %sqrt3A_827, %mul3A_829 : vector<128x16xf32>
    %sub3A_831 = arith.constant 1.000000e+00 : f32
    %sub3A_832 = vector.broadcast %sub3A_831 : f32 to vector<128x16xf32>
    %sub3A_833 = arith.subf %sub3A_832, %mul3A_830 : vector<128x16xf32>
    %max3A_834 = arith.constant 0.000000e+00 : f32
    %max3A_835 = vector.broadcast %max3A_834 : f32 to vector<128x16xf32>
    %max3A_836 = arith.maximumf %max3A_835, %sub3A_833 : vector<128x16xf32>
    %mul3A_837 = arith.mulf %max3A_836, %select_n3A : vector<128x16xf32>
    %reshape3A_838 = vector.shape_cast %get3A_1 : vector<2048x128xf32> to vector<128x16x128xf32>
    %broadcast_in_dim3A_839 = vector.shape_cast %mul3A_837 : vector<128x16xf32> to vector<128x16x1xf32>
    %mul3A_840 = vector.broadcast %broadcast_in_dim3A_839 : vector<128x16x1xf32> to vector<128x16x128xf32>
    %mul3A_841 = arith.mulf %reshape3A_838, %mul3A_840 : vector<128x16x128xf32>
    %slice3A_842 = vector.extract_strided_slice %mul3A_841 {offsets = [0, 0, 0], sizes = [128, 8, 128], strides = [1, 1, 1]} : vector<128x16x128xf32> to vector<128x8x128xf32>
    %slice3A_843 = vector.extract_strided_slice %mul3A_841 {offsets = [0, 8, 0], sizes = [128, 8, 128], strides = [1, 1, 1]} : vector<128x16x128xf32> to vector<128x8x128xf32>
    %add3A_844 = arith.addf %slice3A_842, %slice3A_843 : vector<128x8x128xf32>
    %slice3A_845 = vector.extract_strided_slice %add3A_844 {offsets = [0, 0, 0], sizes = [128, 4, 128], strides = [1, 1, 1]} : vector<128x8x128xf32> to vector<128x4x128xf32>
    %slice3A_846 = vector.extract_strided_slice %add3A_844 {offsets = [0, 4, 0], sizes = [128, 4, 128], strides = [1, 1, 1]} : vector<128x8x128xf32> to vector<128x4x128xf32>
    %add3A_847 = arith.addf %slice3A_845, %slice3A_846 : vector<128x4x128xf32>
    %slice3A_848 = vector.extract_strided_slice %add3A_847 {offsets = [0, 0, 0], sizes = [128, 2, 128], strides = [1, 1, 1]} : vector<128x4x128xf32> to vector<128x2x128xf32>
    %slice3A_849 = vector.extract_strided_slice %add3A_847 {offsets = [0, 2, 0], sizes = [128, 2, 128], strides = [1, 1, 1]} : vector<128x4x128xf32> to vector<128x2x128xf32>
    %add3A_850 = arith.addf %slice3A_848, %slice3A_849 : vector<128x2x128xf32>
    %slice3A_851 = vector.extract_strided_slice %add3A_850 {offsets = [0, 0, 0], sizes = [128, 1, 128], strides = [1, 1, 1]} : vector<128x2x128xf32> to vector<128x1x128xf32>
    %squeeze3A_852 = vector.shape_cast %slice3A_851 : vector<128x1x128xf32> to vector<128x128xf32>
    %slice3A_853 = vector.extract_strided_slice %add3A_850 {offsets = [0, 1, 0], sizes = [128, 1, 128], strides = [1, 1, 1]} : vector<128x2x128xf32> to vector<128x1x128xf32>
    %squeeze3A_854 = vector.shape_cast %slice3A_853 : vector<128x1x128xf32> to vector<128x128xf32>
    %add3A_855 = arith.addf %squeeze3A_852, %squeeze3A_854 : vector<128x128xf32>
    %slice3A_856 = vector.extract_strided_slice %add3A_855 {offsets = [0, 0], sizes = [128, 67], strides = [1, 1]} : vector<128x128xf32> to vector<128x67xf32>
    %get3A_857 = arith.constant 13 : index
    %get3A_858 = arith.constant 0 : index
    %get3A_859 = arith.constant 0 : index
    %get3A_860 = vector.load %arg7[%get3A_857, %get3A_858, %get3A_859] : memref<15x67x64xf32, #tpu.memory_space<vmem>>, vector<1x67x64xf32>
    %get3A_861 = vector.shape_cast %get3A_860 : vector<1x67x64xf32> to vector<67x64xf32>
    %dot_general3A_862 = arith.constant dense<0.000000e+00> : vector<128x64xf32>
    %dot_general3A_863 = tpu.matmul %slice3A_856, %get3A_861, %dot_general3A_862 {dimension_numbers = #tpu.dot_dimension_numbers<[1], [0], [0], [1], [0, 0, 1, 1], [], []>, transpose_lhs_hint = false} : vector<128x67xf32>, vector<67x64xf32>, vector<128x64xf32> -> vector<128x64xf32>
    %add3A_864 = arith.addf %add3A_803, %dot_general3A_863 : vector<128x64xf32>
    %get3A_865 = arith.constant 14 : index
    %get3A_866 = arith.constant 0 : index
    %get3A_867 = memref.load %arg6[%get3A_865, %get3A_866] : memref<15x3xf32, #tpu.memory_space<smem>>
    %get3A_868 = arith.constant 14 : index
    %get3A_869 = arith.constant 1 : index
    %get3A_870 = memref.load %arg6[%get3A_868, %get3A_869] : memref<15x3xf32, #tpu.memory_space<smem>>
    %get3A_871 = arith.constant 14 : index
    %get3A_872 = arith.constant 2 : index
    %get3A_873 = memref.load %arg6[%get3A_871, %get3A_872] : memref<15x3xf32, #tpu.memory_space<smem>>
    %sub3A_874 = vector.broadcast %get3A_867 : f32 to vector<128x16xf32>
    %sub3A_875 = arith.subf %get3A_4, %sub3A_874 : vector<128x16xf32>
    %sub3A_876 = vector.broadcast %get3A_870 : f32 to vector<128x16xf32>
    %sub3A_877 = arith.subf %get3A_7, %sub3A_876 : vector<128x16xf32>
    %sub3A_878 = vector.broadcast %get3A_873 : f32 to vector<128x16xf32>
    %sub3A_879 = arith.subf %get3A_10, %sub3A_878 : vector<128x16xf32>
    %mul3A_880 = arith.mulf %sub3A_875, %sub3A_875 : vector<128x16xf32>
    %mul3A_881 = arith.mulf %sub3A_877, %sub3A_877 : vector<128x16xf32>
    %add3A_882 = arith.addf %mul3A_880, %mul3A_881 : vector<128x16xf32>
    %mul3A_883 = arith.mulf %sub3A_879, %sub3A_879 : vector<128x16xf32>
    %add3A_884 = arith.addf %add3A_882, %mul3A_883 : vector<128x16xf32>
    %add3A_885 = arith.constant 9.99999996E-13 : f32
    %add3A_886 = vector.broadcast %add3A_885 : f32 to vector<128x16xf32>
    %add3A_887 = arith.addf %add3A_884, %add3A_886 : vector<128x16xf32>
    %sqrt3A_888 = math.sqrt %add3A_887 : vector<128x16xf32>
    %mul3A_889 = arith.constant 1.000000e+01 : f32
    %mul3A_890 = vector.broadcast %mul3A_889 : f32 to vector<128x16xf32>
    %mul3A_891 = arith.mulf %sqrt3A_888, %mul3A_890 : vector<128x16xf32>
    %sub3A_892 = arith.constant 1.000000e+00 : f32
    %sub3A_893 = vector.broadcast %sub3A_892 : f32 to vector<128x16xf32>
    %sub3A_894 = arith.subf %sub3A_893, %mul3A_891 : vector<128x16xf32>
    %max3A_895 = arith.constant 0.000000e+00 : f32
    %max3A_896 = vector.broadcast %max3A_895 : f32 to vector<128x16xf32>
    %max3A_897 = arith.maximumf %max3A_896, %sub3A_894 : vector<128x16xf32>
    %mul3A_898 = arith.mulf %max3A_897, %select_n3A : vector<128x16xf32>
    %reshape3A_899 = vector.shape_cast %get3A_1 : vector<2048x128xf32> to vector<128x16x128xf32>
    %broadcast_in_dim3A_900 = vector.shape_cast %mul3A_898 : vector<128x16xf32> to vector<128x16x1xf32>
    %mul3A_901 = vector.broadcast %broadcast_in_dim3A_900 : vector<128x16x1xf32> to vector<128x16x128xf32>
    %mul3A_902 = arith.mulf %reshape3A_899, %mul3A_901 : vector<128x16x128xf32>
    %slice3A_903 = vector.extract_strided_slice %mul3A_902 {offsets = [0, 0, 0], sizes = [128, 8, 128], strides = [1, 1, 1]} : vector<128x16x128xf32> to vector<128x8x128xf32>
    %slice3A_904 = vector.extract_strided_slice %mul3A_902 {offsets = [0, 8, 0], sizes = [128, 8, 128], strides = [1, 1, 1]} : vector<128x16x128xf32> to vector<128x8x128xf32>
    %add3A_905 = arith.addf %slice3A_903, %slice3A_904 : vector<128x8x128xf32>
    %slice3A_906 = vector.extract_strided_slice %add3A_905 {offsets = [0, 0, 0], sizes = [128, 4, 128], strides = [1, 1, 1]} : vector<128x8x128xf32> to vector<128x4x128xf32>
    %slice3A_907 = vector.extract_strided_slice %add3A_905 {offsets = [0, 4, 0], sizes = [128, 4, 128], strides = [1, 1, 1]} : vector<128x8x128xf32> to vector<128x4x128xf32>
    %add3A_908 = arith.addf %slice3A_906, %slice3A_907 : vector<128x4x128xf32>
    %slice3A_909 = vector.extract_strided_slice %add3A_908 {offsets = [0, 0, 0], sizes = [128, 2, 128], strides = [1, 1, 1]} : vector<128x4x128xf32> to vector<128x2x128xf32>
    %slice3A_910 = vector.extract_strided_slice %add3A_908 {offsets = [0, 2, 0], sizes = [128, 2, 128], strides = [1, 1, 1]} : vector<128x4x128xf32> to vector<128x2x128xf32>
    %add3A_911 = arith.addf %slice3A_909, %slice3A_910 : vector<128x2x128xf32>
    %slice3A_912 = vector.extract_strided_slice %add3A_911 {offsets = [0, 0, 0], sizes = [128, 1, 128], strides = [1, 1, 1]} : vector<128x2x128xf32> to vector<128x1x128xf32>
    %squeeze3A_913 = vector.shape_cast %slice3A_912 : vector<128x1x128xf32> to vector<128x128xf32>
    %slice3A_914 = vector.extract_strided_slice %add3A_911 {offsets = [0, 1, 0], sizes = [128, 1, 128], strides = [1, 1, 1]} : vector<128x2x128xf32> to vector<128x1x128xf32>
    %squeeze3A_915 = vector.shape_cast %slice3A_914 : vector<128x1x128xf32> to vector<128x128xf32>
    %add3A_916 = arith.addf %squeeze3A_913, %squeeze3A_915 : vector<128x128xf32>
    %slice3A_917 = vector.extract_strided_slice %add3A_916 {offsets = [0, 0], sizes = [128, 67], strides = [1, 1]} : vector<128x128xf32> to vector<128x67xf32>
    %get3A_918 = arith.constant 14 : index
    %get3A_919 = arith.constant 0 : index
    %get3A_920 = arith.constant 0 : index
    %get3A_921 = vector.load %arg7[%get3A_918, %get3A_919, %get3A_920] : memref<15x67x64xf32, #tpu.memory_space<vmem>>, vector<1x67x64xf32>
    %get3A_922 = vector.shape_cast %get3A_921 : vector<1x67x64xf32> to vector<67x64xf32>
    %dot_general3A_923 = arith.constant dense<0.000000e+00> : vector<128x64xf32>
    %dot_general3A_924 = tpu.matmul %slice3A_917, %get3A_922, %dot_general3A_923 {dimension_numbers = #tpu.dot_dimension_numbers<[1], [0], [0], [1], [0, 0, 1, 1], [], []>, transpose_lhs_hint = false} : vector<128x67xf32>, vector<67x64xf32>, vector<128x64xf32> -> vector<128x64xf32>
    %add3A_925 = arith.addf %add3A_864, %dot_general3A_924 : vector<128x64xf32>
    %gt3A = arith.constant 0.000000e+00 : f32
    %gt3A_926 = vector.broadcast %gt3A : f32 to vector<128x64xf32>
    %gt3A_927 = arith.cmpf ogt, %add3A_925, %gt3A_926 : vector<128x64xf32>
    %mul3A_928 = arith.constant 3.000000e-01 : f32
    %mul3A_929 = vector.broadcast %mul3A_928 : f32 to vector<128x64xf32>
    %mul3A_930 = arith.mulf %mul3A_929, %add3A_925 : vector<128x64xf32>
    %select_n3A_931 = arith.select %gt3A_927, %add3A_925, %mul3A_930 : vector<128x64xi1>, vector<128x64xf32>
    %swap3A = arith.constant 0 : index
    %swap3A_932 = arith.constant 0 : index
    %swap3A_933 = vector.load %arg8[%swap3A, %swap3A_932] : memref<128x64xf32, #tpu.memory_space<vmem>>, vector<128x64xf32>
    tpu.vector_store %arg8[%swap3A, %swap3A_932], %select_n3A_931 {strides = array<i32>} : memref<128x64xf32, #tpu.memory_space<vmem>>, vector<128x64xf32>,
    return
  }
  func.func @transform_0(%arg0: i32) -> (i32, i32) {
    %c0_i32 = arith.constant 0 : i32
    %c0_i32_0 = arith.constant 0 : i32
    return %arg0, %c0_i32 : i32, i32
  }
  func.func @transform_1(%arg0: i32) -> (i32, i32) {
    %c0_i32 = arith.constant 0 : i32
    %c0_i32_0 = arith.constant 0 : i32
    return %arg0, %c0_i32 : i32, i32
  }
  func.func @transform_2(%arg0: i32) -> (i32, i32) {
    %c0_i32 = arith.constant 0 : i32
    %c0_i32_0 = arith.constant 0 : i32
    return %arg0, %c0_i32 : i32, i32
  }
  func.func @transform_3(%arg0: i32) -> (i32, i32) {
    %c0_i32 = arith.constant 0 : i32
    %c0_i32_0 = arith.constant 0 : i32
    return %arg0, %c0_i32 : i32, i32
  }
  func.func @transform_4(%arg0: i32) -> (i32, i32) {
    %c0_i32 = arith.constant 0 : i32
    %c0_i32_0 = arith.constant 0 : i32
    return %arg0, %c0_i32 : i32, i32
  }
  func.func @transform_5(%arg0: i32) -> (i32, i32) {
    %c0_i32 = arith.constant 0 : i32
    %c0_i32_0 = arith.constant 0 : i32
    %c0_i32_1 = arith.constant 0 : i32
    return %c0_i32, %c0_i32_0 : i32, i32
  }
  func.func @transform_6(%arg0: i32) -> (i32, i32, i32) {
    %c0_i32 = arith.constant 0 : i32
    %c0_i32_0 = arith.constant 0 : i32
    %c0_i32_1 = arith.constant 0 : i32
    %c0_i32_2 = arith.constant 0 : i32
    return %c0_i32, %c0_i32_0, %c0_i32_1 : i32, i32, i32
  }
  func.func @transform_7(%arg0: i32) -> (i32, i32) {
    %c0_i32 = arith.constant 0 : i32
    %c0_i32_0 = arith.constant 0 : i32
    return %arg0, %c0_i32 : i32, i32
  }
}

</mosaic_0001>

<sc_bundles>
// kernel: kernel.4.cloned.1.call-start
scs
__scs_entry_jumppad:
0x0: {  	(pc) =	sbr.rel $0x88, $3  }
0x1: {  	(tag) =	ssettag $0x0;
	lr =	simm.s32 $0x1  }
0x2: {  	[smem:$0x3F9E] =	sst lr;
	_ =	strace $0xD0000000  }
0x3: {  	_ = 	snop  }
0x4: {  	_ = 	snop  }
0x5: {  	_ = 	snop  }
0x6: {  	_ = 	snop  }
0x7: {  	_ = 	snop  }
__scs_overlays_trampoline_lowered:
0x8: {  	[smem:$0x3FAD] =	sst s0  }
0x9: {  	[smem:$0x3FAE] =	sst s1  }
0xa: {  	[smem:$0x3FAF] =	sst s2  }
0xb: {  	[smem:$0x3FB0] =	sst s3  }
0xc: {  	[smem:$0x3FB1] =	sst s4  }
0xd: {  	[smem:$0x3FB2] =	sst s5  }
0xe: {  	[smem:$0x3FB3] =	sst s6  }
0xf: {  	[smem:$0x3FB4] =	sst s7  }
0x10: {  	[smem:$0x3FB5] =	sst s8  }
0x11: {  	[smem:$0x3FB6] =	sst s9;
	s0 =	simm.s32 @!p0 $0x0  }
0x12: {  	s1 =	sld [smem:$0x3F9C];
	s0 =	simm.s32 @p0 $0x1  }
0x13: {  	[smem:$0x3FB7] =	sst s0;
	s0 =	simm.s32 @!p1 $0x0  }
0x14: {  	s2 =	sld [smem:$0x3F9B];
	s0 =	simm.s32 @p1 $0x1  }
0x15: {  	[smem:$0x3FB8] =	sst s0;
	s0 =	simm.s32 @!p2 $0x0  }
0x16: {  	s3 =	sld [smem:$0x3FDB];
	s0 =	simm.s32 @p2 $0x1  }
0x17: {  	s4 =	simm.s32 $0x1BF5;
	[smem:$0x3FBA] =	sst s0  }
0x18: {  	s0 =	sld [smem:$0x3F9D];
	_ =	swait.ge [sflag:s4], $0x0  }
0x19: {  	s7 =	sld [smem:$0x3F9E]  }
0x1a: {  	s8 =	sadd.s32 $0xFFFFE003, lr  }
0x1b: {  	s9 =	sadd.s32 $0xFFFFFEF7, lr;
	s5 =	simm.s32 $0xFFFFFFFF;
	p2 =	slt.u32 s8, $0xFFFFF086  }
0x1c: {  	p1 =	slt.u32 s9, $0xF7A;
	s5 =	simm.s32 @!p2 $0x0  }
0x1d: {  	s5 =	simm.s32 @p1 $0x1;
	p0 =	seq.s32 s7, s2  }
0x1e: {  	s7 =	smul.u32 @!p0 $0xF7A, s2;
	p2 =	seq.s32 @!p0 s5, $0x0  }
0x1f: {  	s9 =	smul.u32 $0xF7A, s1;
	s8 =	simm.s32 @!p0 $0x1BF5;
	p2 =	por !p2, p0  }
0x20: {  	[sflag:s8] =	ssyncset.s32 @!p0 $0xFFFFF086;
	s6 =	sadd.s32 @!p0 s3, s7;
	s7 =	simm.s32 @!p0 $0x108  }
0x21: {  	s3 =	sadd.s32 s3, s9;
	s6 =	sadd.s32 @!p0 $0x88, s6;
	s7 =	simm.s32 @p2 $0x1082  }
0x22: {  	[simem:s7], [sflag:s8] =	dma.local @!p0 [hbm:s6], $0xF7A  }
0x23: {  	s9 =	sor.u32 $0xD0000000, s2;
	s6 =	simm.s32 $0x108;
	_ =	swait.ge @!p0 [sflag:s8], $0x0  }
0x24: {  	s3 =	sadd.s32 $0x88, s3;
	s6 =	simm.s32 @!p1 $0x1082;
	[sflag:s4] =	ssyncset.s32 $0xFFFFF086  }
0x25: {  	[simem:s6], [sflag:s4] =	dma.local [hbm:s3], $0xF7A  }
0x26: {  	[smem:$0x3F9E] =	sst s1;
	(tag) =	ssettag s2;
	_ =	strace s9  }
0x27: {  	s1 =	sld [smem:$0x3FAE]  }
0x28: {  	s2 =	sld [smem:$0x3FAF]  }
0x29: {  	s4 =	sld [smem:$0x3FB1]  }
0x2a: {  	p0 =	seq.s32 s5, $0x0;
	s5 =	sld [smem:$0x3FB2]  }
0x2b: {  	s6 =	sld [smem:$0x3FB3]  }
0x2c: {  	s7 =	sld [smem:$0x3FB4]  }
0x2d: {  	s3 =	simm.s32 $0x108;
	s8 =	sld [smem:$0x3FB5]  }
0x2e: {  	s3 =	simm.s32 @!p0 $0x1082;
	s9 =	sld [smem:$0x3FB6]  }
0x2f: {  	lr =	sadd.s32 s0, s3;
	s0 =	sld [smem:$0x3FAD]  }
0x30: {  	s3 =	sld [smem:$0x3FB0]  }
0x31: {  	[smem:$0x3FB9] =	sst s10  }
0x32: {  	s10 =	sld [smem:$0x3FB7];
	_ =	sdelay $0x3  }
0x33: {  	p0 =	seq.s32 s10, $0x1;
	s10 =	sld [smem:$0x3FB9];
	_ =	sdelay $0x3  }
0x34: {  	[smem:$0x3FB9] =	sst s10  }
0x35: {  	s10 =	sld [smem:$0x3FB8];
	_ =	sdelay $0x3  }
0x36: {  	p1 =	seq.s32 s10, $0x1;
	s10 =	sld [smem:$0x3FB9];
	_ =	sdelay $0x3  }
0x37: {  	[smem:$0x3FB9] =	sst s10  }
0x38: {  	s10 =	sld [smem:$0x3FBA]  }
0x39: {  	_ = 	snop;
	(pc) =	sbr.ind lr, $3  }
0x3a: {  	_ = 	snop  }
0x3b: {  	_ = 	snop  }
0x3c: {  	p2 =	seq.s32 s10, $0x1;
	s10 =	sld [smem:$0x3FB9]  }
0x3d: {  	_ =	shalt  }
0x3e: {  	_ =	shalt  }
0x3f: {  	_ =	shalt  }
0x40: {  	_ =	shalt  }
0x41: {  	_ =	shalt  }
0x42: {  	_ =	shalt  }
0x43: {  	_ =	shalt  }
0x44: {  	_ =	shalt  }
0x45: {  	_ =	shalt  }
0x46: {  	_ =	shalt  }
0x47: {  	_ =	shalt  }
0x48: {  	_ =	shalt  }
0x49: {  	_ =	shalt  }
0x4a: {  	_ =	shalt  }
0x4b: {  	_ =	shalt  }
0x4c: {  	_ =	shalt  }
0x4d: {  	_ =	shalt  }
0x4e: {  	_ =	shalt  }
0x4f: {  	_ =	shalt  }
0x50: {  	_ =	shalt  }
0x51: {  	_ =	shalt  }
0x52: {  	_ =	shalt  }
0x53: {  	_ =	shalt  }
0x54: {  	_ =	shalt  }
0x55: {  	_ =	shalt  }
0x56: {  	_ =	shalt  }
0x57: {  	_ =	shalt  }
0x58: {  	_ =	shalt  }
0x59: {  	_ =	shalt  }
0x5a: {  	_ =	shalt  }
0x5b: {  	_ =	shalt  }
0x5c: {  	_ =	shalt  }
0x5d: {  	_ =	shalt  }
0x5e: {  	_ =	shalt  }
0x5f: {  	_ =	shalt  }
0x60: {  	_ =	shalt  }
0x61: {  	_ =	shalt  }
0x62: {  	_ =	shalt  }
0x63: {  	_ =	shalt  }
0x64: {  	_ =	shalt  }
0x65: {  	_ =	shalt  }
0x66: {  	_ =	shalt  }
0x67: {  	_ =	shalt  }
0x68: {  	_ =	shalt  }
0x69: {  	_ =	shalt  }
0x6a: {  	_ =	shalt  }
0x6b: {  	_ =	shalt  }
0x6c: {  	_ =	shalt  }
0x6d: {  	_ =	shalt  }
0x6e: {  	_ =	shalt  }
0x6f: {  	_ =	shalt  }
0x70: {  	_ =	shalt  }
0x71: {  	_ =	shalt  }
0x72: {  	_ =	shalt  }
0x73: {  	_ =	shalt  }
0x74: {  	_ =	shalt  }
0x75: {  	_ =	shalt  }
0x76: {  	_ =	shalt  }
0x77: {  	_ =	shalt  }
0x78: {  	_ =	shalt  }
0x79: {  	_ =	shalt  }
0x7a: {  	_ =	shalt  }
0x7b: {  	_ =	shalt  }
0x7c: {  	_ =	shalt  }
0x7d: {  	_ =	shalt  }
0x7e: {  	_ =	shalt  }
0x7f: {  	_ =	shalt  }
0x80: {  	_ =	shalt  }
0x81: {  	_ =	shalt  }
0x82: {  	_ =	shalt  }
0x83: {  	_ =	shalt  }
0x84: {  	_ =	shalt  }
0x85: {  	_ =	shalt  }
0x86: {  	_ =	shalt  }
0x87: {  	_ =	shalt  }
.Lfunc_end0:
.L_simem_size_0:
called_computation_lowered:
.L_overlay_start_0:
0x88: {  	s2 =	sld [smem:$0x3FD9]  }
0x89: {  	s3 =	sld [smem:$0x3FFE];
	_ =	sdelay $0x1  }
0x8a: {  	s1 =	srdreg.scid  }
0x8b: {  	s0 =	sand.u32 $0x1, s1  }
0x8c: {  	s17 =	sshll.u32 s0, $0xA;
	s2 =	sadd.s32 s3, s2  }
0x8d: {  	s2 =	sadd.s32 s2, s17  }
0x8e: {  	[smem:$0x3FC5] =	sst s2  }
0x8f: {  	_ = 	snop  }
0x90: {  	s2 =	sld [smem:$0x3FD0];
	(tm) =	ssettm $0x1  }
0x91: {  	s18 =	sld [smem:$0x3FFB];
	_ =	sdelay $0x3  }
0x92: {  	_ =	strace s18  }
0x93: {  	s3 =	sld [smem:$0x3FFC];
	_ =	sdelay $0x3  }
0x94: {  	_ =	strace s3  }
0x95: {  	s3 =	sld [smem:$0x3FFD];
	_ =	sdelay $0x3  }
0x96: {  	_ =	strace s3  }
0x97: {  	_ =	strace $0x8FFFFFFF  }
0x98: {  	s19 =	sld [smem:$0x3FDB];
	_ =	sdelay $0x1  }
0x99: {  	s4 =	simm.s32 $_scs_section_size  }
0x9a: {  	s5 =	simm.s32 $_size__tile_overlayer_lowered;
	s6 =	simm.s32 $_tile_overlayer_lowered  }
0x9b: {  	s22 =	simm.s32 $0x1BFF;
	s21 =	sshll.u32 s6, $0x1;
	s3 =	sadd.s32 s4, s19  }
0x9c: {  	s7 =	simm.s32 $0x0;
	s20 =	sshll.u32 s5, $0x1;
	s5 =	sadd.s32 s21, s3  }
0x9d: {  	[timem:s7], [sflag:s22] =	dma.local [hbm:s5], s20  }
0x9e: {  	_ =	swait.ge [sflag:s22], s20  }
0x9f: {  	s4 =	ssub.s32 $0x0, s20;
	[sflag:s22] =	ssyncset.done $0x0  }
0xa0: {  	[sflag:s22] =	ssyncadd.s32 s4;
	_ =	sdelay $0x1  }
0xa1: {  	s23 =	simm.s32 $0x1B8B  }
0xa2: {  	_ =	swait.ge [sflag:s23], $0x1  }
0xa3: {  	[sflag:s23] =	ssyncset.done $0x0  }
0xa4: {  	s25 =	simm.s32 $0x1B8E;
	s24 =	sld [smem:$0x3FFE];
	[sflag:s23] =	ssyncadd.s32 $0xFFFFFFFF  }
0xa5: {  	s26 =	simm.s32 $execute0_lowered;
	[smem:$0x3FD2] =	sst s25  }
0xa6: {  	s5 =	sshll.u32 s26, $0x1;
	_ =	strace $0x80000046;
	[dreg:$0x1] =	wrdreg $0xFFFFFFFF  }
0xa7: {  	s28 =	simm.s32 $_size_execute0_lowered;
	s3 =	sadd.s32 s3, s5;
	[dreg:$0x0] =	wrdreg $0x0  }
0xa8: {  	s5 =	sshll.u32 s28, $0x1;
	[dreg:$0x2] =	wrdreg s3  }
0xa9: {  	[dreg:$0x3] =	wrdreg s5  }
0xaa: {  	[dreg:$0x4] =	wrdreg $0xC0  }
0xab: {  	_ =	task [dreg:s7], $0x5FFFF  }
0xac: {  	[dreg:$0x1] =	wrdreg $0xFFFFFFFF  }
0xad: {  	[dreg:$0x0] =	wrdreg $0x60  }
0xae: {  	[dreg:$0x2] =	wrdreg s24  }
0xaf: {  	[dreg:$0x3] =	wrdreg s2  }
0xb0: {  	[dreg:$0x4] =	wrdreg $0x9  }
0xb1: {  	_ =	task.clear_ibuf [dreg:s7], $0x5FFFF;
	_ =	strace $0x90000046  }
0xb2: {  	s29 =	simm.s32 $0x9;
	_ =	strace $0x80000048  }
0xb3: {  	_ =	swait.ge [sflag:s29], $0x1  }
0xb4: {  	[sflag:s29] =	ssyncadd.s32 $0xFFFFFFFF  }
0xb5: {  	_ =	strace $0x90000048  }
0xb6: {  	_ =	sfence  }
0xb7: {  	s30 =	sld [smem:$0x0];
	_ =	sdelay $0x2  }
0xb8: {  	s31 =	sshll.u32 s1, $0xD;
	s1 =	sshrl.u32 s1, $0x2  }
0xb9: {  	s3 =	sand.u32 $0x4000, s31;
	s1 =	sadd.s32 s1, s30  }
0xba: {  	s0 =	sor.u32 s3, s0;
	s1 =	sshll.u32 s1, $0x11  }
0xbb: {  	s0 =	sor.u32 s1, s0  }
0xbc: {  	s0 =	sadd.s32 $0x8F2B, s0  }
0xbd: {  	[sflag:s0] =	ssyncadd.remote.s32 $0x1  }
0xbe: {  	_ =	sfence.sel $0xFFFF  }
0xbf: {  	[dreg:$0x0] =	wrdreg $0xFFFFFFFF;
	(pc) =	sbr.abs _section_cstart, $3  }
0xc0: {  	[dreg:$0x1] =	wrdreg $0xFFFFFFFF  }
0xc1: {  	_ =	task.clear_ibuf [dreg:s7], $0x2FFFF;
	_ =	strace $0x9FFFFFFF  }
0xc2: {  	(tm) =	ssettm $0x7FFFFFFF  }
0xc3: {  	_ =	shalt  }
tec
execute0_lowered:
.L_overlay_start_1:
0x0: {  	(tag) =	ssettag $0x1  }
0x1: {  	s0 =	rddreg [dreg:$0x0]  }
0x2: {  	s1 =	rddreg [dreg:$0x1];
	s2 =	simm.s32 $0x0  }
0x3: {  	s3 =	stileid.u32;
	s4 =	srdreg.scid;
	s14 =	simm.s32 $0x2  }
0x4: {  	s15 =	simm.s32 $0x1000;
	s16 =	simm.s32 $0x2000;
	s17 =	simm.s32 $0x3000  }
0x5: {  	s18 =	simm.s32 $0x4080;
	s22 =	simm.s32 $0x7100;
	s23 =	simm.s32 $0x80  }
0x6: {  	s24 =	simm.s32 $0xF100;
	s25 =	simm.s32 $0x1;
	[smem:$0x7FF] =	sst s2  }
0x7: {  	s3 =	sshll.u32 s3, $0xA;
	s6 =	sand.u32 $0x1, s4;
	_ =	strace $0x80000047  }
0x8: {  	s19 =	sand.u32 $0x3000, s3;
	s26 =	sand.u32 $0xC00, s3;
	s28 =	sshll.u32 s6, $0x9  }
0x9: {  	s3 =	sadd.s32 $0x2C00, s0;
	s6 =	ssub.s32 $0x2, s6;
	s5 =	sshrl.u32 s19, $0x3  }
0xa: {  	s8 =	sor.u32 s26, s19;
	s4 =	sor.u32 s28, s26;
	s31 =	sshrl.u32 s6, $0x1  }
0xb: {  	s26 =	simm.s32 $0x0;
	s7 =	sadd.s32 s5, s0;
	s8 =	sor.u32 s28, s8  }
0xc: {  	s30 =	sor.u32 s19, s4;
	s12 =	ssub.s32 s6, s31;
	s29 =	sshll.u32 s8, $0x8  }
0xd: {  	v0 =	vlaneseq.u32;
	s8 =	sshll.u32 s30, $0x1;
	s5 =	sadd.s32 $0x2400, s7;
	s6 =	sadd.s32 $0x1C00, s7  }
0xe: {  	v4 =	vmul.u32 $0xFFFFFFFF, v0;
	s7 =	sadd.s32 $0x1400, s7;
	s13 =	sadd.s32 s29, s0;
	s0 =	sadd.s32 s8, s0  }
0xf: {  	v3 =	vimm.f32 $1.000000020e+30;
	s12 =	smax.u32 s12, $0x1;
	s8 =	sadd.s32 s1, s8;
	s9 =	sadd.s32 $0x42C00, s0  }
0x10: {  	v2 =	vimm.s32 $0x0;
	v1 =	vmov s19;
	v4 =	vadd.s32 $0xF, v4;
	s10 =	sadd.s32 $0x4AC00, s0;
	s11 =	sadd.s32 $0x52C00, s0;
	s13 =	sadd.s32 $0x5AC00, s13  }
.LBB2_1:
0x11: {  	[tilespmem:s2], [sflag:$0x2] =	stream.linear.gather [hbm4b:s5+s2], $0x1000, $0x38;
	[tilespmem:$0x13100] =	vst v63  }
0x12: {  	_ =	swait.ge [sflag:s14], $0x1000  }
0x13: {  	[sflag:s14] =	ssyncset.done $0x0  }
0x14: {  	[sflag:s14] =	ssyncadd.s32 $0xFFFFF000  }
0x15: {  	[tilespmem:s15], [sflag:$0x2] =	stream.linear.gather [hbm4b:s6+s2], $0x1000, $0x38;
	[tilespmem:$0x13100] =	vst v63  }
0x16: {  	_ =	swait.ge [sflag:s14], $0x1000  }
0x17: {  	[sflag:s14] =	ssyncset.done $0x0  }
.Ltmp0:
0x18: {  	[sflag:s14] =	ssyncadd.s32 $0xFFFFF000;
	(pc) =	sbr.rel .LBB2_2-.Ltmp0, $4  }
0x19: {  	[tilespmem:s16], [sflag:$0x2] =	stream.linear.gather [hbm4b:s7+s2], $0x1000, $0x38;
	[tilespmem:$0x13100] =	vst v63  }
0x1a: {  	_ =	swait.ge [sflag:s14], $0x1000  }
0x1b: {  	[sflag:s14] =	ssyncset.done $0x0  }
0x1c: {  	s28 =	simm.s32 $0x0;
	[sflag:s14] =	ssyncadd.s32 $0xFFFFF000  }
.LBB2_6:
0x1d: {  	_ = 	snop  }
.LBB2_11:
0x1e: {  	v12, v13, _ =	vpop @p0 (xrf1)  }
0x1f: {  	v12 =	vperm.xlane @p0 v12, v4;
	v14, v15, _ =	vpop @p1 (xrf1)  }
0x20: {  	v13 =	vperm.xlane @p0 v13, v4;
	v14 =	vpsel p1, v14, v9  }
0x21: {  	v15 =	vpsel p1, v15, v8;
	vm0 =	vle.f32 @p0 v14, v12  }
0x22: {  	(xrf1) =	vsort.ascd.msk.f32 $0xffff, v10, v11;
	v10 =	vsel @p0 vm0, v14, v12;
	v11 =	vsel @p0 vm0, v15, v13  }
0x23: {  	(xrf1) =	vsort.ascd.msk.f32 @p0 $0xffff, v10, v11;
	_ =	sdelay $0xc  }
0x24: {  	v10, v11, _ =	vpop (xrf1)  }
0x25: {  	v10 =	vperm.xlane v10, v4;
	v12, v13, _ =	vpop @p0 (xrf1)  }
0x26: {  	v11 =	vperm.xlane v11, v4;
	v9 =	vpsel p0, v12, v9  }
0x27: {  	v8 =	vpsel p0, v13, v8;
	vm15 =	vle.f32 v9, v10  }
0x28: {  	v9 =	vsel vm15, v9, v10;
	v8 =	vsel vm15, v8, v11  }
0x29: {  	(xrf1) =	vsort.ascd.msk.f32 $0xffff, v9, v8;
	_ =	sdelay $0xd  }
0x2a: {  	v9, v8, _ =	vpop (xrf1)  }
.LBB2_12:
0x2b: {  	_ =	sdelay $0x3  }
0x2c: {  	v10 =	vld.idx.msk [tilespmem:v8+s2+$0x0], $0xffff  }
0x2d: {  	v11 =	vld.idx.msk [tilespmem:v8+s15+$0x0], $0xffff  }
0x2e: {  	v12 =	vld.idx.msk [tilespmem:v8+s16+$0x0], $0xffff;
	_ =	sdelay $0x1  }
0x2f: {  	s0 =	sshll.u32 s28, $0x4;
	s28 =	sadd.s32 $0x1, s28  }
0x30: {  	p0 =	sne.s32 s28, $0x200;
	v5 =	vsub.f32 v10, v5  }
.Ltmp1:
0x31: {  	[tilespmem:s0+$0x7100] =	vst v9;
	v6 =	vsub.f32 v11, v6;
	(pc) =	sbr.rel @!p0 .LBB2_13-.Ltmp1, $4  }
0x32: {  	v7 =	vsub.f32 v12, v7;
	[tilespmem:s0+$0x9100] =	vst v5  }
0x33: {  	[tilespmem:s0+$0xB100] =	vst v6  }
0x34: {  	[tilespmem:s0+$0xD100] =	vst v7;
	v5 =	vadd.s32 v1, v8  }
0x35: {  	[tilespmem:s0+$0x5100] =	vst v5  }
.LBB2_2:
0x36: {  	s0 =	sor.u32 s4, s28  }
0x37: {  	v8 =	vmov s0;
	_ =	sdelay $0x1  }
0x38: {  	s1 =	simm.s32 $0x1000  }
0x39: {  	s21 =	simm.s32 $0x0;
	v9 =	vld [tilespmem:s1+$0x0]  }
0x3a: {  	v10 =	vld [tilespmem:s21+$0x0]  }
0x3b: {  	v5 =	vld.idx.msk [tilespmem:v8+s21+$0x0], $0xffff  }
0x3c: {  	s19 =	simm.s32 $0x2000;
	v6 =	vld.idx.msk [tilespmem:v8+s1+$0x0], $0xffff  }
0x3d: {  	v11 =	vld [tilespmem:s19+$0x0]  }
0x3e: {  	v7 =	vld.idx.msk [tilespmem:v8+s19+$0x0], $0xffff;
	_ =	sdelay $0x1  }
0x3f: {  	s20 =	simm.s32 $0x10  }
0x40: {  	v12 =	vld [tilespmem:s20+$0x0];
	s21 =	simm.s32 $0x1010;
	v9 =	vsub.f32 v9, v6;
	v10 =	vsub.f32 v10, v5  }
0x41: {  	v13 =	vld [tilespmem:s21+$0x0]  }
0x42: {  	s1 =	simm.s32 $0x2010;
	v11 =	vsub.f32 v11, v7;
	v10 =	vmul.f32 v10, v10;
	v9 =	vmul.f32 v9, v9  }
0x43: {  	v14 =	vld [tilespmem:s1+$0x0]  }
0x44: {  	s21 =	simm.s32 $0x2020;
	v9 =	vadd.f32 v9, v10;
	v10 =	vmul.f32 v11, v11  }
0x45: {  	s19 =	simm.s32 $0x20;
	v15 =	vld [tilespmem:s21+$0x0];
	v11 =	vsub.f32 v12, v5  }
0x46: {  	s20 =	simm.s32 $0x1020;
	v12 =	vsub.f32 v13, v6;
	v13 =	vld [tilespmem:s19+$0x0];
	v9 =	vadd.f32 v10, v9  }
0x47: {  	v10 =	vld [tilespmem:s20+$0x0]  }
0x48: {  	v14 =	vsub.f32 v14, v7;
	vm0 =	vlt.f32 v9, $3.999999910e-02  }
0x49: {  	s19 =	simm.s32 $0x30;
	v11 =	vmul.f32 v11, v11;
	v12 =	vmul.f32 v12, v12;
	v16 =	vsel vm0, $0x1, v2  }
0x4a: {  	v17 =	vld [tilespmem:s19+$0x0];
	(xrf0) =	vadd.scan.msk.s32 $0xffff, v16  }
0x4b: {  	s1 =	simm.s32 $0x1030;
	v15 =	vsub.f32 v15, v7;
	v11 =	vadd.f32 v12, v11;
	v12 =	vmul.f32 v14, v14  }
0x4c: {  	v14 =	vld [tilespmem:s1+$0x0];
	v13 =	vsub.f32 v13, v5;
	v16 =	vsub.f32 v10, v6  }
0x4d: {  	v10 =	vadd.f32 v12, v11  }
0x4e: {  	s20 =	simm.s32 $0x2030;
	v11 =	vmul.f32 v13, v13;
	v12 =	vmul.f32 v16, v16  }
0x4f: {  	v18 =	vimm.s32 $0x0;
	v19 =	vld [tilespmem:s20+$0x0];
	v17 =	vsub.f32 v17, v5;
	vm1 =	vlt.f32 v10, $3.999999910e-02  }
0x50: {  	v20 =	vsel vm1, $0x1, v2;
	v11 =	vadd.f32 v12, v11;
	v12 =	vmul.f32 v15, v15;
	v15, _, _ =	vpop (xrf0)  }
0x51: {  	s21 =	simm.s32 $0x1040;
	v16 =	vmpcnt.ones.xlane vm0;
	v14 =	vsub.f32 v14, v6;
	(xrf0) =	vadd.scan.msk.s32 $0xffff, v20;
	v15 =	vadd.s32 v15, v18  }
0x52: {  	s1 =	simm.s32 $0x40;
	vm0 =	vmmov vm0;
	v20 =	vld [tilespmem:s21+$0x0];
	v11 =	vadd.f32 v12, v11;
	v12 =	vadd.s32 $0xFFFFFFFF, v15  }
0x53: {  	v15 =	vmul.f32 v17, v17;
	v17 =	vmul.f32 v14, v14;
	v14 =	vadd.s32 v18, v16;
	v18 =	vld [tilespmem:s1+$0x0]  }
0x54: {  	v21 =	vsub.f32 v19, v7;
	vm2 =	vmmov vm0  }
0x55: {  	s30 =	simm.s32 $0x20;
	v13 =	vmpcnt.ones.xlane vm1;
	vm3 =	vmmov vm1;
	vm4 =	vlt.f32 v11, $3.999999910e-02  }
0x56: {  	s31 =	simm.s32 $0x30;
	s19 =	simm.s32 $0x2040;
	v21 =	vmul.f32 v21, v21;
	s21 =	simm.s32 $0x0;
	v19 =	vadd.f32 v17, v15;
	v16 =	vsel vm4, $0x1, v2  }
0x57: {  	s29 =	simm.s32 $0x40;
	s0 =	simm.s32 $0x10;
	s20 =	simm.s32 $0x1050;
	v15 =	vmpcnt.ones.xlane vm4;
	v17 =	vld [tilespmem:s19+$0x0];
	v20 =	vsub.f32 v20, v6;
	(xrf0) =	vadd.scan.msk.s32 $0xffff, v16;
	v22, _, _ =	vpop (xrf0);
	v16 =	vor.u32 s21, v0  }
.LBB2_3:
0x58: {  	vm5 =	vmmov vm1;
	vm1 =	vmmov vm4;
	v24 =	vsub.f32 v18, v5;
	s21 =	smov.u32 s31;
	s31 =	smov.u32 s29;
	s29 =	sadd.s32 $0x10, s29  }
0x59: {  	s1 =	sadd.s32 $0x10, s1;
	v22 =	vadd.s32 v22, v14;
	v23 =	vld [tilespmem:s20+$0x0];
	[tilespmem:v12+s17+$0x0] =	vst.idx.msk vm0, v9;
	v9 =	vmovc v10;
	v10 =	vmov v11;
	vm0 =	vmmov vm5;
	p0 =	slt.u32 s29, $0xFF0  }
.Ltmp2:
0x5a: {  	v11 =	vadd.f32 v21, v19;
	v18 =	vld [tilespmem:s1+$0x0];
	[tilespmem:v12+s18+$0x0] =	vst.idx.msk vm2, v16;
	v12 =	vadd.s32 $0xFFFFFFFF, v22;
	vm2 =	vmmov vm3;
	(pc) =	sbr.rel @p0 .LBB2_3-.Ltmp2, $4  }
0x5b: {  	s19 =	sadd.s32 $0x10, s19;
	v19 =	vmul.f32 v20, v20;
	v16 =	vmul.f32 v24, v24;
	vm3 =	vmmov vm4  }
0x5c: {  	v14 =	vadd.s32 v14, v13;
	v13 =	vmovc v15;
	v21 =	vsub.f32 v17, v7;
	vm4 =	vlt.f32 v11, $3.999999910e-02;
	v17 =	vld [tilespmem:s19+$0x0]  }
0x5d: {  	v19 =	vadd.f32 v19, v16;
	v16 =	vsel vm4, $0x1, v2;
	v15 =	vmpcnt.ones.xlane vm4  }
0x5e: {  	s20 =	sadd.s32 $0x10, s20;
	v21 =	vmul.f32 v21, v21;
	v20 =	vsub.f32 v23, v6;
	(xrf0) =	vadd.scan.msk.s32 $0xffff, v16;
	v22, _, _ =	vpop (xrf0);
	v16 =	vor.u32 s0, v0;
	s0 =	smov.u32 s30;
	s30 =	smov.u32 s21  }
0x5f: {  	v18 =	vsub.f32 v18, v5;
	_ =	sdelay $0x1  }
0x60: {  	v20 =	vmul.f32 v20, v20;
	v18 =	vmul.f32 v18, v18;
	v17 =	vsub.f32 v17, v7;
	_ =	sdelay $0x1  }
0x61: {  	v19 =	vadd.f32 v21, v19;
	v18 =	vadd.f32 v20, v18;
	v17 =	vmul.f32 v17, v17;
	_ =	sdelay $0x1  }
0x62: {  	vm5 =	vlt.f32 v19, $3.999999910e-02;
	v17 =	vadd.f32 v17, v18  }
0x63: {  	v54 =	vsel vm5, $0x1, v2  }
0x64: {  	(xrf0) =	vadd.scan.msk.s32 $0xffff, v54;
	vm6 =	vlt.f32 v17, $3.999999910e-02  }
0x65: {  	v55 =	vsel vm6, $0x1, v2  }
0x66: {  	(xrf0) =	vadd.scan.msk.s32 $0xffff, v55  }
0x67: {  	v56 =	vadd.s32 v22, v14;
	vm1 =	vmmov vm1;
	v13 =	vadd.s32 v14, v13;
	v57, _, _ =	vpop (xrf0)  }
0x68: {  	vm4 =	vmmov vm4;
	v20 =	vadd.s32 $0xFFFFFFFF, v56;
	v14 =	vadd.s32 v57, v13  }
0x69: {  	vm3 =	vmmov vm3;
	v14 =	vadd.s32 $0xFFFFFFFF, v14  }
0x6a: {  	v58 =	vmpcnt.ones.xlane vm5;
	vm8 =	vmmov vm5;
	v13 =	vadd.s32 v13, v15;
	v60, _, _ =	vpop (xrf0)  }
0x6b: {  	[tilespmem:v12+s17+$0x0] =	vst.idx.msk vm0, v9;
	vm12 =	vmmov vm5;
	v9 =	vmpcnt.ones.xlane vm6;
	v15 =	vadd.s32 v60, v13  }
0x6c: {  	[tilespmem:v12+s18+$0x0] =	vst.idx.msk vm2, v16;
	vm14 =	vmmov vm6;
	v13 =	vadd.s32 v13, v58;
	v61 =	vadd.s32 $0xFFFFFFFF, v15;
	v62, _, _ =	vpop (xrf0)  }
0x6d: {  	[tilespmem:v20+s17+$0x0] =	vst.idx.msk vm1, v10;
	vm1 =	vmmov vm14;
	v10 =	vadd.s32 v62, v13  }
0x6e: {  	[tilespmem:v14+s17+$0x0] =	vst.idx.msk vm4, v11;
	v11 =	vor.u32 s30, v0;
	v9 =	vadd.s32 v13, v9;
	v10 =	vadd.s32 $0xFFFFFFFF, v10  }
0x6f: {  	v59 =	vor.u32 s0, v0;
	[tilespmem:v14+s18+$0x0] =	vst.idx.msk vm4, v11;
	v11 =	vxor.u32 $0x80000000, v9  }
0x70: {  	[tilespmem:v20+s18+$0x0] =	vst.idx.msk vm3, v59;
	v9 =	vadd.s32 v0, v9;
	(xrf0) =	vmax.scan.msk.u32 $0xffff, v11  }
0x71: {  	v63 =	vor.u32 s31, v0;
	[tilespmem:v61+s17+$0x0] =	vst.idx.msk vm12, v19  }
0x72: {  	[tilespmem:v61+s18+$0x0] =	vst.idx.msk vm8, v63  }
0x73: {  	v11 =	vor.u32 s29, v0;
	[tilespmem:v10+s17+$0x0] =	vst.idx.msk vm6, v17  }
0x74: {  	[tilespmem:v10+s18+$0x0] =	vst.idx.msk vm1, v11  }
0x75: {  	[tilespmem:v9+s17+$0x0] =	vst.idx.msk $0xffff, v3  }
0x76: {  	[tilespmem:v9+s18+$0x0] =	vst.idx.msk $0xffff, v8;
	v8, _, _ =	vpop (xrf0)  }
0x77: {  	(v2sf) =	vpush v8, $0xF;
	_ =	sdelay $0x2  }
0x78: {  	v9 =	vld [tilespmem:$0x3000]  }
0x79: {  	v8 =	vld [tilespmem:$0x4080];
	_ =	sdelay $0x4  }
0x7a: {  	(xrf1) =	vsort.ascd.msk.f32 $0xffff, v9, v8;
	_ =	sdelay $0x5  }
0x7b: {  	s31 =	spop (v2sf)  }
0x7c: {  	s0 =	sadd.s32 $0x8000000F, s31  }
0x7d: {  	s0 =	sshra.s32 s0, $0x4  }
0x7e: {  	p0 =	slt.s32 s0, $0x2  }
.Ltmp3:
0x7f: {  	_ = 	snop;
	(pc) =	sbr.rel @p0 .LBB2_12-.Ltmp3, $2  }
0x80: {  	_ =	sdelay $0x2  }
0x81: {  	vm7 =	vmmov vm4;
	vm13 =	vmmov vm8;
	vm15 =	vmmov vm6;
	v9, v8, _ =	vpop (xrf1)  }
0x82: {  	s0 =	sadd.s32 $0xFFFFFFFF, s0  }
0x83: {  	p2 =	sne.s32 s0, $0x1  }
.Ltmp4:
0x84: {  	_ = 	snop;
	(pc) =	sbr.rel @!p2 .LBB2_6-.Ltmp4, $4  }
0x85: {  	_ = 	snop  }
0x86: {  	s1 =	simm.s32 $0x3010  }
0x87: {  	s19 =	simm.s32 $0x4090;
	v10 =	vld [tilespmem:s1+$0x0]  }
0x88: {  	p0 =	por $0x0, $0x0;
	p1 =	por $0x0, $0x0;
	v11 =	vld [tilespmem:s19+$0x0];
	s0 =	sadd.s32 $0xFFFFFFFF, s0  }
0x89: {  	_ =	sdelay $0x3  }
0x8a: {  	(xrf1) =	vsort.ascd.msk.f32 $0xffff, v10, v11;
	_ =	sdelay $0x7  }
0x8b: {  	p2 =	sne.s32 s0, $0x1  }
.Ltmp5:
0x8c: {  	_ = 	snop;
	(pc) =	sbr.rel @!p2 .LBB2_8-.Ltmp5, $4  }
0x8d: {  	_ = 	snop  }
0x8e: {  	s1 =	simm.s32 $0x3020  }
0x8f: {  	s31 =	simm.s32 $0x40A0;
	v10 =	vld [tilespmem:s1+$0x0]  }
0x90: {  	s19 =	sadd.s32 $0xFFFFFFFF, s0;
	p0 =	por $0x1, $0x1;
	v11 =	vld [tilespmem:s31+$0x0]  }
0x91: {  	v12, v13, _ =	vpop (xrf1)  }
0x92: {  	v12 =	vperm.xlane v12, v4  }
0x93: {  	v13 =	vperm.xlane v13, v4  }
0x94: {  	vm0 =	vle.f32 v9, v12  }
0x95: {  	(xrf1) =	vsort.ascd.msk.f32 $0xffff, v10, v11;
	v11 =	vsel vm0, v9, v12;
	v63 =	vsel vm0, v8, v13  }
0x96: {  	(xrf1) =	vsort.ascd.msk.f32 $0xffff, v11, v63;
	_ =	sdelay $0x6  }
0x97: {  	p2 =	sne.s32 s19, $0x1  }
.Ltmp6:
0x98: {  	_ = 	snop;
	(pc) =	sbr.rel @!p2 .LBB2_11-.Ltmp6, $4  }
0x99: {  	_ = 	snop  }
0x9a: {  	s0 =	simm.s32 $0x3030  }
0x9b: {  	s1 =	simm.s32 $0x40B0;
	v10 =	vld [tilespmem:s0+$0x0]  }
0x9c: {  	s19 =	sadd.s32 $0xFFFFFFFF, s19;
	p1 =	por $0x1, $0x1;
	v11 =	vld [tilespmem:s1+$0x0]  }
.LBB2_10:
0x9d: {  	p2 =	sne.s32 s19, $0x1  }
0x9e: {  	v12, v13, _ =	vpop (xrf1)  }
0x9f: {  	v12 =	vperm.xlane v12, v4  }
0xa0: {  	v13 =	vperm.xlane v13, v4;
	v15, v14, _ =	vpop (xrf1)  }
0xa1: {  	(xrf1) =	vsort.ascd.msk.f32 $0xffff, v10, v11;
	vm0 =	vle.f32 v15, v12  }
0xa2: {  	v10 =	vsel vm0, v15, v12;
	v11 =	vsel vm0, v14, v13  }
0xa3: {  	(xrf1) =	vsort.ascd.msk.f32 $0xffff, v10, v11;
	_ =	sdelay $0x5  }
.Ltmp7:
0xa4: {  	(pc) =	sbr.rel @p2 .LBB2_10-.Ltmp7, $4  }
0xa5: {  	_ = 	snop  }
0xa6: {  	s0 =	sadd.s32 $0x10, s0  }
0xa7: {  	s1 =	sadd.s32 $0x10, s1;
	v10 =	vld [tilespmem:s0+$0x0]  }
0xa8: {  	s19 =	sadd.s32 $0xFFFFFFFF, s19;
	v11 =	vld [tilespmem:s1+$0x0]  }
.Ltmp8:
0xa9: {  	_ = 	snop;
	(pc) =	sbr.rel .LBB2_11-.Ltmp8, $1  }
0xaa: {  	_ =	sdelay $0x3  }
.LBB2_8:
.Ltmp9:
0xab: {  	(pc) =	sbr.rel .LBB2_11-.Ltmp9, $2  }
0xac: {  	_ =	sdelay $0x2  }
0xad: {  	_ = 	snop  }
.LBB2_13:
0xae: {  	s0 =	simm.s32 $0x0;
	s1 =	simm.s32 $0x9100  }
0xaf: {  	[hbm4b:s8+s0] =	stream.linear.scatter [tilespmem:s1], [sflag:$0x2], $0x2000, $0x38;
	[tilespmem:$0x13100] =	vst v63  }
0xb0: {  	_ =	swait.ge [sflag:s14], $0x2000  }
0xb1: {  	[sflag:s14] =	ssyncset.done $0x0  }
0xb2: {  	s29 =	simm.s32 $0xB100;
	[sflag:s14] =	ssyncadd.s32 $0xFFFFE000  }
0xb3: {  	[hbm4b:s9+s0] =	stream.linear.scatter [tilespmem:s29], [sflag:$0x2], $0x2000, $0x38;
	[tilespmem:$0x13100] =	vst v63  }
0xb4: {  	_ =	swait.ge [sflag:s14], $0x2000  }
0xb5: {  	[sflag:s14] =	ssyncset.done $0x0  }
0xb6: {  	s30 =	simm.s32 $0xD100;
	[sflag:s14] =	ssyncadd.s32 $0xFFFFE000  }
0xb7: {  	[hbm4b:s10+s0] =	stream.linear.scatter [tilespmem:s30], [sflag:$0x2], $0x2000, $0x38;
	[tilespmem:$0x13100] =	vst v63  }
0xb8: {  	_ =	swait.ge [sflag:s14], $0x2000  }
0xb9: {  	[sflag:s14] =	ssyncset.done $0x0  }
0xba: {  	[sflag:s14] =	ssyncadd.s32 $0xFFFFE000  }
0xbb: {  	[hbm4b:s11+s0] =	stream.linear.scatter [tilespmem:s22], [sflag:$0x2], $0x2000, $0x38;
	[tilespmem:$0x13100] =	vst v63  }
0xbc: {  	_ =	swait.ge [sflag:s14], $0x2000  }
0xbd: {  	[sflag:s14] =	ssyncset.done $0x0  }
0xbe: {  	s31 =	simm.s32 $0x5100;
	[sflag:s14] =	ssyncadd.s32 $0xFFFFE000  }
0xbf: {  	[tilespmem:s24], [sflag:$0x1] =	stream.indirect.gather [hbm4b:s3+s23], $0x80, s31, s23, $0xb8;
	[tilespmem:$0x13100] =	vst v63  }
0xc0: {  	_ =	swait.ge [sflag:s25], $0x4000  }
0xc1: {  	[sflag:s25] =	ssyncset.done $0x0  }
0xc2: {  	[sflag:s25] =	ssyncadd.s32 $0xFFFFC000  }
0xc3: {  	[hbm4b:s13+s2] =	stream.linear.scatter [tilespmem:s24], [sflag:$0x2], $0x4000, $0x38;
	[tilespmem:$0x13100] =	vst v63  }
0xc4: {  	s19 =	simm.s32 $0x80;
	_ =	swait.ge [sflag:s14], $0x4000  }
0xc5: {  	s1 =	simm.s32 $0x400;
	s0 =	sadd.s32 $0x800, s13;
	[sflag:s14] =	ssyncset.done $0x0  }
.LBB2_14:
0xc6: {  	s19 =	sadd.s32 $0x5100, s19  }
0xc7: {  	[sflag:s14] =	ssyncadd.s32 $0xFFFFC000;
	s20 =	smov.u32 s1;
	s21 =	sadd.s32 $0x200, s1  }
0xc8: {  	[tilespmem:s24], [sflag:$0x1] =	stream.indirect.gather [hbm4b:s3+s23], $0x80, s19, s23, $0xb8;
	[tilespmem:$0x13100] =	vst v63  }
0xc9: {  	p0 =	sne.s32 s1, $0x7E00;
	_ =	swait.ge [sflag:s25], $0x4000  }
.Ltmp10:
0xca: {  	[sflag:s25] =	ssyncset.done $0x0;
	(pc) =	sbr.rel @p0 .LBB2_14-.Ltmp10, $4  }
0xcb: {  	[sflag:s25] =	ssyncadd.s32 $0xFFFFC000  }
0xcc: {  	[hbm4b:s0+s2] =	stream.linear.scatter [tilespmem:s24], [sflag:$0x2], $0x4000, $0x38;
	[tilespmem:$0x13100] =	vst v63  }
0xcd: {  	s19 =	sshra.s32 s20, $0x2;
	_ =	swait.ge [sflag:s14], $0x4000  }
0xce: {  	s1 =	smov.u32 s21;
	s0 =	sadd.s32 $0x800, s0;
	[sflag:s14] =	ssyncset.done $0x0  }
0xcf: {  	s1 =	sadd.s32 $0x5100, s19;
	[sflag:s14] =	ssyncadd.s32 $0xFFFFC000  }
0xd0: {  	[tilespmem:s24], [sflag:$0x1] =	stream.indirect.gather [hbm4b:s3+s23], $0x80, s1, s23, $0xb8;
	[tilespmem:$0x13100] =	vst v63  }
0xd1: {  	s26 =	sadd.s32 $0x1, s26;
	_ =	swait.ge [sflag:s25], $0x4000  }
0xd2: {  	p0 =	sne.s32 s26, s12;
	[sflag:s25] =	ssyncset.done $0x0  }
.Ltmp11:
0xd3: {  	[sflag:s25] =	ssyncadd.s32 $0xFFFFC000;
	(pc) =	sbr.rel @p0 .LBB2_1-.Ltmp11, $4  }
0xd4: {  	[hbm4b:s0+s2] =	stream.linear.scatter [tilespmem:s24], [sflag:$0x2], $0x4000, $0x38;
	[tilespmem:$0x13100] =	vst v63  }
0xd5: {  	_ =	swait.ge [sflag:s14], $0x4000  }
0xd6: {  	[sflag:s14] =	ssyncset.done $0x0  }
0xd7: {  	[sflag:s14] =	ssyncadd.s32 $0xFFFFC000  }
0xd8: {  	_ =	sfence.sel $0x180000  }
0xd9: {  	[bflag:$0x0] =	sbarrier.arrive $0xFFFF  }
0xda: {  	_ =	strace $0x90000047  }
0xdb: {  	s0 =	stileid.u32;
	[bflag:$0x2] =	sbarrier.arrive $0xFFFF  }
0xdc: {  	p0 =	sne.s32 s0, $0x0;
	s0 =	rddreg [dreg:$0x2]  }
0xdd: {  	s0 =	sadd.s32 @!p0 $0x100000, s0  }
0xde: {  	[sflag:s0] =	ssyncadd.tile.s32 @!p0 $0x1;
	_ =	shalt  }
.Lfunc_end2:
_tile_overlayer_lowered:
.L_overlay_start_2:
0xdf: {  	(tag) =	ssettag $0x2  }
0xe0: {  	s0 =	rddreg [dreg:$0x0];
	s2 =	stileid.u32  }
0xe1: {  	s1 =	rddreg [dreg:$0x1];
	p0 =	sne.s32 s2, $0x0  }
0xe2: {  	s3 =	rddreg [dreg:$0x2];
	[bflag:$0x3] =	sbarrier.arrive $0xFFFF;
	s2 =	simm.s32 @!p0 $0x1C02  }
0xe3: {  	[timem:s3], [sflag:s2] =	dma.local @!p0 [hbm:s0], s1  }
0xe4: {  	s0 =	simm.s32 @!p0 $0x2  }
0xe5: {  	_ =	swait.ge @!p0 [sflag:s0], s1  }
0xe6: {  	s1 =	ssub.s32 @!p0 $0x0, s1;
	[sflag:s0] =	ssyncset.done @!p0 $0x0  }
0xe7: {  	[sflag:s0] =	ssyncadd.s32 @!p0 s1  }
0xe8: {  	[bflag:$0x3] =	sbarrier.arrive $0xFFFF  }
0xe9: {  	_ =	shalt  }

</sc_bundles>
